<compile_context>
chip_gen: v7x
topology: tpu7x:2x2x1
jax: 0.10.2.dev20260603
libtpu: 0.0.44.dev20260713+nightly
codegen_flags: <defaults>
</compile_context>

<pallas_src>
import functools

import jax
import jax.numpy as jnp
from jax import lax
from jax.experimental import pallas as pl
from jax.experimental.pallas import tpu as pltpu
from jax.experimental.pallas import tpu_sc as plsc

B = 64
NV = 256
P = 1024
ENC = 768
DEC = 384

NC = 2
NS = 16
NW = NC * NS
CH = 128
CPB = NV // CH
ROWS_PER_W = B // NW
NT = ROWS_PER_W * CPB


def _tc_body(x_ref, ids_ref, w_ref, bias_ref, apv_ref, amv_ref, pm_ref,
             mm_ref, pos_ref, xbv_ref, out_any, base_scr, fill_sem):
    bi = pl.program_id(0)

    @pl.when(bi == 0)
    def _():
        base_scr[:P] = pm_ref[...] + apv_ref[...] + pos_ref[:P]
        base_scr[P:] = mm_ref[...] + amv_ref[...] + pos_ref[P:]

    pltpu.make_async_copy(
        base_scr, out_any.at[pl.ds(bi * 2 * P, 2 * P)], fill_sem).start()

    @pl.when(bi >= 2)
    def _():
        pltpu.make_async_copy(
            base_scr, out_any.at[pl.ds(0, 2 * P)], fill_sem).wait()

    @pl.when(bi == B - 1)
    def _():
        pltpu.make_async_copy(
            base_scr, out_any.at[pl.ds(0, 2 * P)], fill_sem).wait()
        pltpu.make_async_copy(
            base_scr, out_any.at[pl.ds(0, 2 * P)], fill_sem).wait()

    ids = ids_ref[0, 0]
    onehot = (ids[:, None] == lax.broadcasted_iota(jnp.int32, (NV, P), 1)
              ).astype(jnp.float32)
    posg = jnp.dot(onehot, pos_ref[:P], preferred_element_type=jnp.float32)
    xbv_ref[0] = (jnp.dot(x_ref[0], w_ref[...],
                          preferred_element_type=jnp.float32)
                  + bias_ref[...] + apv_ref[...] + posg)


def _tc_stage(x, ids3, w, bias, apv, amv, pm, mm, pos2):
    return pl.pallas_call(
        _tc_body,
        grid=(B,),
        in_specs=[
            pl.BlockSpec((1, NV, ENC), lambda i: (i, 0, 0)),
            pl.BlockSpec((1, 1, NV), lambda i: (i, 0, 0)),
            pl.BlockSpec((ENC, DEC), lambda i: (0, 0)),
            pl.BlockSpec((1, DEC), lambda i: (0, 0)),
            pl.BlockSpec((1, DEC), lambda i: (0, 0)),
            pl.BlockSpec((1, DEC), lambda i: (0, 0)),
            pl.BlockSpec((P, DEC), lambda i: (0, 0)),
            pl.BlockSpec((P, DEC), lambda i: (0, 0)),
            pl.BlockSpec((2 * P, DEC), lambda i: (0, 0)),
        ],
        out_shape=[
            jax.ShapeDtypeStruct((B, NV, DEC), jnp.float32),
            jax.ShapeDtypeStruct((B * 2 * P, DEC), jnp.float32),
        ],
        out_specs=[
            pl.BlockSpec((1, NV, DEC), lambda i: (i, 0, 0)),
            pl.BlockSpec(memory_space=pl.ANY),
        ],
        scratch_shapes=[pltpu.VMEM((2 * P, DEC), jnp.float32),
                        pltpu.SemaphoreType.DMA],
    )(x, ids3, w, bias, apv, amv, pm, mm, pos2)


def _sc_body(xbv_hbm, ids_hbm, out_hbm,
             ids2, gidx, rows2, gsem0, gsem1, ssem0, ssem1):
    cid = lax.axis_index("c")
    sid = lax.axis_index("s")
    wid = sid * NC + cid
    row0 = wid * ROWS_PER_W
    gsems = (gsem0, gsem1)
    ssems = (ssem0, ssem1)

    hgather = [None, None]
    hscatter = [None, None]

    def start_gather(t):
        buf = t % 2
        bb = row0 + t // CPB
        c = t % CPB
        hgather[buf] = pltpu.async_copy(
            xbv_hbm.at[bb, pl.ds(c * CH, CH)], rows2.at[buf], gsems[buf])

    pltpu.sync_copy(ids_hbm.at[pl.ds(row0, ROWS_PER_W)], ids2)
    start_gather(0)
    for t in range(NT):
        r = t // CPB
        c = t % CPB
        off = (row0 + r) * 2 * P
        for i in range(CH // 16):
            gidx[t, pl.ds(i * 16, 16)] = (
                ids2[r, pl.ds(c * CH + i * 16, 16)] + off)

    for t in range(NT):
        buf = t % 2
        hgather[buf].wait()
        hscatter[buf] = pltpu.async_copy(
            rows2.at[buf], out_hbm.at[gidx.at[t]], ssems[buf])
        if t + 1 < NT:
            nbuf = (t + 1) % 2
            if hscatter[nbuf] is not None:
                hscatter[nbuf].wait()
            start_gather(t + 1)
    hscatter[(NT - 1) % 2].wait()


_sc_scatter = functools.partial(
    pl.kernel,
    out_type=(),
    mesh=plsc.VectorSubcoreMesh(core_axis_name="c", subcore_axis_name="s"),
    scratch_types=[
        pltpu.VMEM((ROWS_PER_W, NV), jnp.int32),
        pltpu.VMEM((NT, CH), jnp.int32),
        pltpu.VMEM((2, CH, DEC), jnp.float32),
        pltpu.SemaphoreType.DMA,
        pltpu.SemaphoreType.DMA,
        pltpu.SemaphoreType.DMA,
        pltpu.SemaphoreType.DMA,
    ],
)(_sc_body)


def kernel(x, visible_ids, partial_view_id, W, b, partial_mask, masked_mask,
           pos, view1, view2):
    cond = partial_view_id == 0
    apv = jnp.where(cond, view1, view2).reshape(1, DEC)
    amv = jnp.where(cond, view2, view1).reshape(1, DEC)
    ids3 = visible_ids.reshape(B, 1, NV)
    xbv, out0 = _tc_stage(x, ids3, W, b.reshape(1, DEC), apv, amv,
                          partial_mask.reshape(P, DEC),
                          masked_mask.reshape(P, DEC),
                          pos.reshape(2 * P, DEC))
    o_ref = jax.new_ref(out0)
    _sc_scatter(xbv, visible_ids, o_ref)
    return jax.freeze(o_ref).reshape(B, 2 * P, DEC)

# --- scband reference (transcript-rebuilt; emitter-appended) ---
"""Pipeline reference for scband-prepare-decoder-input-87978110091724 (READ-ONLY COPY).

The authoritative reference and input builder live on the scoring server;
editing this copy changes nothing except your own understanding.
"""

import jax, jax.numpy as jnp
import numpy as np

B = 64
NV = 256
P = 1024
ENC = 768
DEC = 384


def setup_inputs(seed: int = 0) -> dict:
    key = jax.random.key(seed)
    ks = jax.random.split(key, 8)
    x = jax.random.normal(ks[0], (B, NV, ENC), dtype=jnp.float32)
    # unique sorted visible ids per batch row (subset of [0, P))
    scores = jax.random.uniform(ks[1], (B, P))
    visible_ids = jnp.sort(jnp.argsort(scores, axis=1)[:, :NV], axis=1).astype(jnp.int32)
    W = jax.random.normal(ks[2], (ENC, DEC), dtype=jnp.float32) * 0.02
    b = jnp.zeros((DEC,), dtype=jnp.float32)
    partial_mask = jax.random.normal(ks[3], (1, P, DEC), dtype=jnp.float32)
    masked_mask = jax.random.normal(ks[4], (1, P, DEC), dtype=jnp.float32)
    pos = jax.random.normal(ks[5], (1, 2 * P, DEC), dtype=jnp.float32)
    view1 = jnp.zeros((1, 1, DEC), dtype=jnp.float32)
    view2 = jnp.ones((1, 1, DEC), dtype=jnp.float32)
    return {"x": x, "visible_ids": visible_ids, "partial_view_id": 0, "W": W, "b": b,
            "partial_mask": partial_mask, "masked_mask": masked_mask, "pos": pos,
            "view1": view1, "view2": view2}


def reference(x, visible_ids, partial_view_id, W, b, partial_mask, masked_mask, pos, view1, view2):
    xb = jnp.dot(x, W) + b  # (B, NV, DEC)
    Bsz = xb.shape[0]
    pv = jnp.broadcast_to(partial_mask, (Bsz, P, DEC))
    bidx = jnp.arange(Bsz)[:, None]
    # scatter-overwrite encoder tokens into visible positions
    pv = pv.at[bidx, visible_ids].set(xb)
    mv = jnp.broadcast_to(masked_mask, (Bsz, P, DEC))
    cond = partial_view_id == 0
    pv = pv + jnp.where(cond, view1, view2)
    mv = mv + jnp.where(cond, view2, view1)
    out = jnp.concatenate([pv, mv], axis=1)
    out = out + pos
    return out

if __name__ == "__main__":
    import jax
    _d = setup_inputs()
    print(jax.jit(kernel)(*tuple(_d.values())))

</pallas_src>

<mosaic_0001>
#map = affine_map<(d0, d1) -> (0, 0, 0)>
#map1 = affine_map<(d0, d1) -> (0, 0)>
module attributes {stable_mosaic.version = 14 : i64} {
  func.func @new_body(%arg0: i32, %arg1: i32, %arg2: memref<64x256x384xf32, #tpu.memory_space<hbm>>, %arg3: memref<64x256xi32, #tpu.memory_space<hbm>>, %arg4: memref<131072x384xf32, #tpu.memory_space<hbm>>, %arg5: memref<131072x384xf32, #tpu.memory_space<hbm>>, %arg6: memref<2x256xi32, #tpu.memory_space<vmem>>, %arg7: memref<4x128xi32, #tpu.memory_space<vmem>>, %arg8: memref<2x128x384xf32, #tpu.memory_space<vmem>>, %arg9: memref<!tpu.dma_semaphore, #tpu.memory_space<semaphore_mem>>, %arg10: memref<!tpu.dma_semaphore, #tpu.memory_space<semaphore_mem>>, %arg11: memref<!tpu.dma_semaphore, #tpu.memory_space<semaphore_mem>>, %arg12: memref<!tpu.dma_semaphore, #tpu.memory_space<semaphore_mem>>) attributes {dimension_semantics = [#tpu.dimension_semantics<core_parallel>, #tpu.dimension_semantics<subcore_parallel>], iteration_bounds = array<i64: 2, 16>, scalar_prefetch = 0 : i64, scratch_operands = 7 : i64, tpu.core_type = #tpu.core_type<sc_vector_subcore>, window_params = [{transform_indices = #map}, {transform_indices = #map1}, {transform_indices = #map1}, {transform_indices = #map1}]} {
    %mul3A = arith.constant 2 : i32
    %mul3A_0 = arith.muli %arg1, %mul3A : i32
    %add3A = arith.addi %mul3A_0, %arg0 : i32
    %mul3A_1 = arith.constant 2 : i32
    %mul3A_2 = arith.muli %add3A, %mul3A_1 : i32
    "tpu.region"() ({
      %run_scoped3A = tpu.sem_alloc : memref<!tpu.dma_semaphore, #tpu.memory_space<semaphore_mem>>
      %dma_start3A_667 = arith.constant 0 : i32
      %dma_start3A_668 = tpu.memref_slice %arg3[%mul3A_2, %dma_start3A_667] : memref<64x256xi32, #tpu.memory_space<hbm>> -> memref<2x256xi32, #tpu.memory_space<hbm>>
      %dma_start3A_669 = arith.constant 0 : i32
      %dma_start3A_670 = tpu.memref_slice %arg3[%mul3A_2, %dma_start3A_669] : memref<64x256xi32, #tpu.memory_space<hbm>> -> memref<2x256xi32, #tpu.memory_space<hbm>>
      tpu.enqueue_dma source(%dma_start3A_670 : memref<2x256xi32, #tpu.memory_space<hbm>>) target(%arg6 : memref<2x256xi32, #tpu.memory_space<vmem>>) target_semaphore(%run_scoped3A : memref<!tpu.dma_semaphore, #tpu.memory_space<semaphore_mem>>)
      %dma_wait3A_671 = arith.constant 0 : i32
      %dma_wait3A_672 = tpu.memref_slice %arg3[%mul3A_2, %dma_wait3A_671] : memref<64x256xi32, #tpu.memory_space<hbm>> -> memref<2x256xi32, #tpu.memory_space<hbm>>
      %dma_wait3A_673 = arith.constant 0 : i32
      %dma_wait3A_674 = tpu.memref_slice %arg3[%mul3A_2, %dma_wait3A_673] : memref<64x256xi32, #tpu.memory_space<hbm>> -> memref<2x256xi32, #tpu.memory_space<hbm>>
      tpu.wait_dma2 semaphore(%run_scoped3A : memref<!tpu.dma_semaphore, #tpu.memory_space<semaphore_mem>>) src(%dma_wait3A_674 : memref<2x256xi32, #tpu.memory_space<hbm>>) dst(%arg6 : memref<2x256xi32, #tpu.memory_space<vmem>>)
      tpu.yield
    }) : () -> ()
    %add3A_3 = arith.constant 0 : i32
    %add3A_4 = arith.addi %mul3A_2, %add3A_3 : i32
    %dma_start3A = arith.constant 0 : i32
    %dma_start3A_5 = arith.constant 0 : i32
    %dma_start3A_6 = arith.constant 0 : i32
    %dma_start3A_7 = tpu.memref_slice %arg8[%dma_start3A, %dma_start3A_5, %dma_start3A_6] : memref<2x128x384xf32, #tpu.memory_space<vmem>> -> memref<1x128x384xf32, #tpu.memory_space<vmem>>
    %dma_start3A_8 = tpu.memref_squeeze %dma_start3A_7 : memref<1x128x384xf32, #tpu.memory_space<vmem>> -> memref<128x384xf32, #tpu.memory_space<vmem>>
    %dma_start3A_9 = arith.constant 0 : i32
    %dma_start3A_10 = arith.constant 0 : i32
    %dma_start3A_11 = tpu.memref_slice %arg2[%add3A_4, %dma_start3A_9, %dma_start3A_10] : memref<64x256x384xf32, #tpu.memory_space<hbm>> -> memref<1x128x384xf32, #tpu.memory_space<hbm>>
    %dma_start3A_12 = tpu.memref_squeeze %dma_start3A_11 : memref<1x128x384xf32, #tpu.memory_space<hbm>> -> memref<128x384xf32, #tpu.memory_space<hbm>>
    %dma_start3A_13 = arith.constant 0 : i32
    %dma_start3A_14 = arith.constant 0 : i32
    %dma_start3A_15 = tpu.memref_slice %arg8[%dma_start3A, %dma_start3A_13, %dma_start3A_14] : memref<2x128x384xf32, #tpu.memory_space<vmem>> -> memref<1x128x384xf32, #tpu.memory_space<vmem>>
    %dma_start3A_16 = tpu.memref_squeeze %dma_start3A_15 : memref<1x128x384xf32, #tpu.memory_space<vmem>> -> memref<128x384xf32, #tpu.memory_space<vmem>>
    %dma_start3A_17 = arith.constant 0 : i32
    %dma_start3A_18 = arith.constant 0 : i32
    %dma_start3A_19 = tpu.memref_slice %arg2[%add3A_4, %dma_start3A_17, %dma_start3A_18] : memref<64x256x384xf32, #tpu.memory_space<hbm>> -> memref<1x128x384xf32, #tpu.memory_space<hbm>>
    %dma_start3A_20 = tpu.memref_squeeze %dma_start3A_19 : memref<1x128x384xf32, #tpu.memory_space<hbm>> -> memref<128x384xf32, #tpu.memory_space<hbm>>
    tpu.enqueue_dma source(%dma_start3A_20 : memref<128x384xf32, #tpu.memory_space<hbm>>) target(%dma_start3A_16 : memref<128x384xf32, #tpu.memory_space<vmem>>) target_semaphore(%arg9 : memref<!tpu.dma_semaphore, #tpu.memory_space<semaphore_mem>>)
    %add3A_21 = arith.constant 0 : i32
    %add3A_22 = arith.addi %mul3A_2, %add3A_21 : i32
    %mul3A_23 = arith.constant 2 : i32
    %mul3A_24 = arith.muli %add3A_22, %mul3A_23 : i32
    %mul3A_25 = arith.constant 1024 : i32
    %mul3A_26 = arith.muli %mul3A_24, %mul3A_25 : i32
    %get3A = arith.constant 0 : i32
    %get3A_27 = arith.index_cast %get3A : i32 to index
    %get3A_28 = arith.constant 0 : index
    %get3A_29 = tpu.vector_load %arg6[%get3A_27, %get3A_28] {strides = array<i32>} : memref<2x256xi32, #tpu.memory_space<vmem>>, vector<1x16xi32>,
    %get3A_30 = vector.shape_cast %get3A_29 : vector<1x16xi32> to vector<16xi32>
    %add3A_31 = vector.broadcast %mul3A_26 : i32 to vector<16xi32>
    %add3A_32 = arith.addi %get3A_30, %add3A_31 : vector<16xi32>
    %swap3A = arith.constant 0 : i32
    %swap3A_33 = arith.index_cast %swap3A : i32 to index
    %swap3A_34 = arith.constant 0 : index
    %swap3A_35 = tpu.vector_load %arg7[%swap3A_33, %swap3A_34] {strides = array<i32>} : memref<4x128xi32, #tpu.memory_space<vmem>>, vector<1x16xi32>,
    %swap3A_36 = vector.shape_cast %swap3A_35 : vector<1x16xi32> to vector<16xi32>
    %swap3A_37 = vector.shape_cast %add3A_32 : vector<16xi32> to vector<1x16xi32>
    tpu.vector_store %arg7[%swap3A_33, %swap3A_34], %swap3A_37 {strides = array<i32>} : memref<4x128xi32, #tpu.memory_space<vmem>>, vector<1x16xi32>,
    %get3A_38 = arith.constant 0 : i32
    %get3A_39 = arith.index_cast %get3A_38 : i32 to index
    %get3A_40 = arith.constant 16 : index
    %get3A_41 = tpu.vector_load %arg6[%get3A_39, %get3A_40] {strides = array<i32>} : memref<2x256xi32, #tpu.memory_space<vmem>>, vector<1x16xi32>,
    %get3A_42 = vector.shape_cast %get3A_41 : vector<1x16xi32> to vector<16xi32>
    %add3A_43 = vector.broadcast %mul3A_26 : i32 to vector<16xi32>
    %add3A_44 = arith.addi %get3A_42, %add3A_43 : vector<16xi32>
    %swap3A_45 = arith.constant 0 : i32
    %swap3A_46 = arith.index_cast %swap3A_45 : i32 to index
    %swap3A_47 = arith.constant 16 : index
    %swap3A_48 = tpu.vector_load %arg7[%swap3A_46, %swap3A_47] {strides = array<i32>} : memref<4x128xi32, #tpu.memory_space<vmem>>, vector<1x16xi32>,
    %swap3A_49 = vector.shape_cast %swap3A_48 : vector<1x16xi32> to vector<16xi32>
    %swap3A_50 = vector.shape_cast %add3A_44 : vector<16xi32> to vector<1x16xi32>
    tpu.vector_store %arg7[%swap3A_46, %swap3A_47], %swap3A_50 {strides = array<i32>} : memref<4x128xi32, #tpu.memory_space<vmem>>, vector<1x16xi32>,
    %get3A_51 = arith.constant 0 : i32
    %get3A_52 = arith.index_cast %get3A_51 : i32 to index
    %get3A_53 = arith.constant 32 : index
    %get3A_54 = tpu.vector_load %arg6[%get3A_52, %get3A_53] {strides = array<i32>} : memref<2x256xi32, #tpu.memory_space<vmem>>, vector<1x16xi32>,
    %get3A_55 = vector.shape_cast %get3A_54 : vector<1x16xi32> to vector<16xi32>
    %add3A_56 = vector.broadcast %mul3A_26 : i32 to vector<16xi32>
    %add3A_57 = arith.addi %get3A_55, %add3A_56 : vector<16xi32>
    %swap3A_58 = arith.constant 0 : i32
    %swap3A_59 = arith.index_cast %swap3A_58 : i32 to index
    %swap3A_60 = arith.constant 32 : index
    %swap3A_61 = tpu.vector_load %arg7[%swap3A_59, %swap3A_60] {strides = array<i32>} : memref<4x128xi32, #tpu.memory_space<vmem>>, vector<1x16xi32>,
    %swap3A_62 = vector.shape_cast %swap3A_61 : vector<1x16xi32> to vector<16xi32>
    %swap3A_63 = vector.shape_cast %add3A_57 : vector<16xi32> to vector<1x16xi32>
    tpu.vector_store %arg7[%swap3A_59, %swap3A_60], %swap3A_63 {strides = array<i32>} : memref<4x128xi32, #tpu.memory_space<vmem>>, vector<1x16xi32>,
    %get3A_64 = arith.constant 0 : i32
    %get3A_65 = arith.index_cast %get3A_64 : i32 to index
    %get3A_66 = arith.constant 48 : index
    %get3A_67 = tpu.vector_load %arg6[%get3A_65, %get3A_66] {strides = array<i32>} : memref<2x256xi32, #tpu.memory_space<vmem>>, vector<1x16xi32>,
    %get3A_68 = vector.shape_cast %get3A_67 : vector<1x16xi32> to vector<16xi32>
    %add3A_69 = vector.broadcast %mul3A_26 : i32 to vector<16xi32>
    %add3A_70 = arith.addi %get3A_68, %add3A_69 : vector<16xi32>
    %swap3A_71 = arith.constant 0 : i32
    %swap3A_72 = arith.index_cast %swap3A_71 : i32 to index
    %swap3A_73 = arith.constant 48 : index
    %swap3A_74 = tpu.vector_load %arg7[%swap3A_72, %swap3A_73] {strides = array<i32>} : memref<4x128xi32, #tpu.memory_space<vmem>>, vector<1x16xi32>,
    %swap3A_75 = vector.shape_cast %swap3A_74 : vector<1x16xi32> to vector<16xi32>
    %swap3A_76 = vector.shape_cast %add3A_70 : vector<16xi32> to vector<1x16xi32>
    tpu.vector_store %arg7[%swap3A_72, %swap3A_73], %swap3A_76 {strides = array<i32>} : memref<4x128xi32, #tpu.memory_space<vmem>>, vector<1x16xi32>,
    %get3A_77 = arith.constant 0 : i32
    %get3A_78 = arith.index_cast %get3A_77 : i32 to index
    %get3A_79 = arith.constant 64 : index
    %get3A_80 = tpu.vector_load %arg6[%get3A_78, %get3A_79] {strides = array<i32>} : memref<2x256xi32, #tpu.memory_space<vmem>>, vector<1x16xi32>,
    %get3A_81 = vector.shape_cast %get3A_80 : vector<1x16xi32> to vector<16xi32>
    %add3A_82 = vector.broadcast %mul3A_26 : i32 to vector<16xi32>
    %add3A_83 = arith.addi %get3A_81, %add3A_82 : vector<16xi32>
    %swap3A_84 = arith.constant 0 : i32
    %swap3A_85 = arith.index_cast %swap3A_84 : i32 to index
    %swap3A_86 = arith.constant 64 : index
    %swap3A_87 = tpu.vector_load %arg7[%swap3A_85, %swap3A_86] {strides = array<i32>} : memref<4x128xi32, #tpu.memory_space<vmem>>, vector<1x16xi32>,
    %swap3A_88 = vector.shape_cast %swap3A_87 : vector<1x16xi32> to vector<16xi32>
    %swap3A_89 = vector.shape_cast %add3A_83 : vector<16xi32> to vector<1x16xi32>
    tpu.vector_store %arg7[%swap3A_85, %swap3A_86], %swap3A_89 {strides = array<i32>} : memref<4x128xi32, #tpu.memory_space<vmem>>, vector<1x16xi32>,
    %get3A_90 = arith.constant 0 : i32
    %get3A_91 = arith.index_cast %get3A_90 : i32 to index
    %get3A_92 = arith.constant 80 : index
    %get3A_93 = tpu.vector_load %arg6[%get3A_91, %get3A_92] {strides = array<i32>} : memref<2x256xi32, #tpu.memory_space<vmem>>, vector<1x16xi32>,
    %get3A_94 = vector.shape_cast %get3A_93 : vector<1x16xi32> to vector<16xi32>
    %add3A_95 = vector.broadcast %mul3A_26 : i32 to vector<16xi32>
    %add3A_96 = arith.addi %get3A_94, %add3A_95 : vector<16xi32>
    %swap3A_97 = arith.constant 0 : i32
    %swap3A_98 = arith.index_cast %swap3A_97 : i32 to index
    %swap3A_99 = arith.constant 80 : index
    %swap3A_100 = tpu.vector_load %arg7[%swap3A_98, %swap3A_99] {strides = array<i32>} : memref<4x128xi32, #tpu.memory_space<vmem>>, vector<1x16xi32>,
    %swap3A_101 = vector.shape_cast %swap3A_100 : vector<1x16xi32> to vector<16xi32>
    %swap3A_102 = vector.shape_cast %add3A_96 : vector<16xi32> to vector<1x16xi32>
    tpu.vector_store %arg7[%swap3A_98, %swap3A_99], %swap3A_102 {strides = array<i32>} : memref<4x128xi32, #tpu.memory_space<vmem>>, vector<1x16xi32>,
    %get3A_103 = arith.constant 0 : i32
    %get3A_104 = arith.index_cast %get3A_103 : i32 to index
    %get3A_105 = arith.constant 96 : index
    %get3A_106 = tpu.vector_load %arg6[%get3A_104, %get3A_105] {strides = array<i32>} : memref<2x256xi32, #tpu.memory_space<vmem>>, vector<1x16xi32>,
    %get3A_107 = vector.shape_cast %get3A_106 : vector<1x16xi32> to vector<16xi32>
    %add3A_108 = vector.broadcast %mul3A_26 : i32 to vector<16xi32>
    %add3A_109 = arith.addi %get3A_107, %add3A_108 : vector<16xi32>
    %swap3A_110 = arith.constant 0 : i32
    %swap3A_111 = arith.index_cast %swap3A_110 : i32 to index
    %swap3A_112 = arith.constant 96 : index
    %swap3A_113 = tpu.vector_load %arg7[%swap3A_111, %swap3A_112] {strides = array<i32>} : memref<4x128xi32, #tpu.memory_space<vmem>>, vector<1x16xi32>,
    %swap3A_114 = vector.shape_cast %swap3A_113 : vector<1x16xi32> to vector<16xi32>
    %swap3A_115 = vector.shape_cast %add3A_109 : vector<16xi32> to vector<1x16xi32>
    tpu.vector_store %arg7[%swap3A_111, %swap3A_112], %swap3A_115 {strides = array<i32>} : memref<4x128xi32, #tpu.memory_space<vmem>>, vector<1x16xi32>,
    %get3A_116 = arith.constant 0 : i32
    %get3A_117 = arith.index_cast %get3A_116 : i32 to index
    %get3A_118 = arith.constant 112 : index
    %get3A_119 = tpu.vector_load %arg6[%get3A_117, %get3A_118] {strides = array<i32>} : memref<2x256xi32, #tpu.memory_space<vmem>>, vector<1x16xi32>,
    %get3A_120 = vector.shape_cast %get3A_119 : vector<1x16xi32> to vector<16xi32>
    %add3A_121 = vector.broadcast %mul3A_26 : i32 to vector<16xi32>
    %add3A_122 = arith.addi %get3A_120, %add3A_121 : vector<16xi32>
    %swap3A_123 = arith.constant 0 : i32
    %swap3A_124 = arith.index_cast %swap3A_123 : i32 to index
    %swap3A_125 = arith.constant 112 : index
    %swap3A_126 = tpu.vector_load %arg7[%swap3A_124, %swap3A_125] {strides = array<i32>} : memref<4x128xi32, #tpu.memory_space<vmem>>, vector<1x16xi32>,
    %swap3A_127 = vector.shape_cast %swap3A_126 : vector<1x16xi32> to vector<16xi32>
    %swap3A_128 = vector.shape_cast %add3A_122 : vector<16xi32> to vector<1x16xi32>
    tpu.vector_store %arg7[%swap3A_124, %swap3A_125], %swap3A_128 {strides = array<i32>} : memref<4x128xi32, #tpu.memory_space<vmem>>, vector<1x16xi32>,
    %add3A_129 = arith.constant 0 : i32
    %add3A_130 = arith.addi %mul3A_2, %add3A_129 : i32
    %mul3A_131 = arith.constant 2 : i32
    %mul3A_132 = arith.muli %add3A_130, %mul3A_131 : i32
    %mul3A_133 = arith.constant 1024 : i32
    %mul3A_134 = arith.muli %mul3A_132, %mul3A_133 : i32
    %get3A_135 = arith.constant 0 : i32
    %get3A_136 = arith.index_cast %get3A_135 : i32 to index
    %get3A_137 = arith.constant 128 : index
    %get3A_138 = tpu.vector_load %arg6[%get3A_136, %get3A_137] {strides = array<i32>} : memref<2x256xi32, #tpu.memory_space<vmem>>, vector<1x16xi32>,
    %get3A_139 = vector.shape_cast %get3A_138 : vector<1x16xi32> to vector<16xi32>
    %add3A_140 = vector.broadcast %mul3A_134 : i32 to vector<16xi32>
    %add3A_141 = arith.addi %get3A_139, %add3A_140 : vector<16xi32>
    %swap3A_142 = arith.constant 1 : i32
    %swap3A_143 = arith.index_cast %swap3A_142 : i32 to index
    %swap3A_144 = arith.constant 0 : index
    %swap3A_145 = tpu.vector_load %arg7[%swap3A_143, %swap3A_144] {strides = array<i32>} : memref<4x128xi32, #tpu.memory_space<vmem>>, vector<1x16xi32>,
    %swap3A_146 = vector.shape_cast %swap3A_145 : vector<1x16xi32> to vector<16xi32>
    %swap3A_147 = vector.shape_cast %add3A_141 : vector<16xi32> to vector<1x16xi32>
    tpu.vector_store %arg7[%swap3A_143, %swap3A_144], %swap3A_147 {strides = array<i32>} : memref<4x128xi32, #tpu.memory_space<vmem>>, vector<1x16xi32>,
    %get3A_148 = arith.constant 0 : i32
    %get3A_149 = arith.index_cast %get3A_148 : i32 to index
    %get3A_150 = arith.constant 144 : index
    %get3A_151 = tpu.vector_load %arg6[%get3A_149, %get3A_150] {strides = array<i32>} : memref<2x256xi32, #tpu.memory_space<vmem>>, vector<1x16xi32>,
    %get3A_152 = vector.shape_cast %get3A_151 : vector<1x16xi32> to vector<16xi32>
    %add3A_153 = vector.broadcast %mul3A_134 : i32 to vector<16xi32>
    %add3A_154 = arith.addi %get3A_152, %add3A_153 : vector<16xi32>
    %swap3A_155 = arith.constant 1 : i32
    %swap3A_156 = arith.index_cast %swap3A_155 : i32 to index
    %swap3A_157 = arith.constant 16 : index
    %swap3A_158 = tpu.vector_load %arg7[%swap3A_156, %swap3A_157] {strides = array<i32>} : memref<4x128xi32, #tpu.memory_space<vmem>>, vector<1x16xi32>,
    %swap3A_159 = vector.shape_cast %swap3A_158 : vector<1x16xi32> to vector<16xi32>
    %swap3A_160 = vector.shape_cast %add3A_154 : vector<16xi32> to vector<1x16xi32>
    tpu.vector_store %arg7[%swap3A_156, %swap3A_157], %swap3A_160 {strides = array<i32>} : memref<4x128xi32, #tpu.memory_space<vmem>>, vector<1x16xi32>,
    %get3A_161 = arith.constant 0 : i32
    %get3A_162 = arith.index_cast %get3A_161 : i32 to index
    %get3A_163 = arith.constant 160 : index
    %get3A_164 = tpu.vector_load %arg6[%get3A_162, %get3A_163] {strides = array<i32>} : memref<2x256xi32, #tpu.memory_space<vmem>>, vector<1x16xi32>,
    %get3A_165 = vector.shape_cast %get3A_164 : vector<1x16xi32> to vector<16xi32>
    %add3A_166 = vector.broadcast %mul3A_134 : i32 to vector<16xi32>
    %add3A_167 = arith.addi %get3A_165, %add3A_166 : vector<16xi32>
    %swap3A_168 = arith.constant 1 : i32
    %swap3A_169 = arith.index_cast %swap3A_168 : i32 to index
    %swap3A_170 = arith.constant 32 : index
    %swap3A_171 = tpu.vector_load %arg7[%swap3A_169, %swap3A_170] {strides = array<i32>} : memref<4x128xi32, #tpu.memory_space<vmem>>, vector<1x16xi32>,
    %swap3A_172 = vector.shape_cast %swap3A_171 : vector<1x16xi32> to vector<16xi32>
    %swap3A_173 = vector.shape_cast %add3A_167 : vector<16xi32> to vector<1x16xi32>
    tpu.vector_store %arg7[%swap3A_169, %swap3A_170], %swap3A_173 {strides = array<i32>} : memref<4x128xi32, #tpu.memory_space<vmem>>, vector<1x16xi32>,
    %get3A_174 = arith.constant 0 : i32
    %get3A_175 = arith.index_cast %get3A_174 : i32 to index
    %get3A_176 = arith.constant 176 : index
    %get3A_177 = tpu.vector_load %arg6[%get3A_175, %get3A_176] {strides = array<i32>} : memref<2x256xi32, #tpu.memory_space<vmem>>, vector<1x16xi32>,
    %get3A_178 = vector.shape_cast %get3A_177 : vector<1x16xi32> to vector<16xi32>
    %add3A_179 = vector.broadcast %mul3A_134 : i32 to vector<16xi32>
    %add3A_180 = arith.addi %get3A_178, %add3A_179 : vector<16xi32>
    %swap3A_181 = arith.constant 1 : i32
    %swap3A_182 = arith.index_cast %swap3A_181 : i32 to index
    %swap3A_183 = arith.constant 48 : index
    %swap3A_184 = tpu.vector_load %arg7[%swap3A_182, %swap3A_183] {strides = array<i32>} : memref<4x128xi32, #tpu.memory_space<vmem>>, vector<1x16xi32>,
    %swap3A_185 = vector.shape_cast %swap3A_184 : vector<1x16xi32> to vector<16xi32>
    %swap3A_186 = vector.shape_cast %add3A_180 : vector<16xi32> to vector<1x16xi32>
    tpu.vector_store %arg7[%swap3A_182, %swap3A_183], %swap3A_186 {strides = array<i32>} : memref<4x128xi32, #tpu.memory_space<vmem>>, vector<1x16xi32>,
    %get3A_187 = arith.constant 0 : i32
    %get3A_188 = arith.index_cast %get3A_187 : i32 to index
    %get3A_189 = arith.constant 192 : index
    %get3A_190 = tpu.vector_load %arg6[%get3A_188, %get3A_189] {strides = array<i32>} : memref<2x256xi32, #tpu.memory_space<vmem>>, vector<1x16xi32>,
    %get3A_191 = vector.shape_cast %get3A_190 : vector<1x16xi32> to vector<16xi32>
    %add3A_192 = vector.broadcast %mul3A_134 : i32 to vector<16xi32>
    %add3A_193 = arith.addi %get3A_191, %add3A_192 : vector<16xi32>
    %swap3A_194 = arith.constant 1 : i32
    %swap3A_195 = arith.index_cast %swap3A_194 : i32 to index
    %swap3A_196 = arith.constant 64 : index
    %swap3A_197 = tpu.vector_load %arg7[%swap3A_195, %swap3A_196] {strides = array<i32>} : memref<4x128xi32, #tpu.memory_space<vmem>>, vector<1x16xi32>,
    %swap3A_198 = vector.shape_cast %swap3A_197 : vector<1x16xi32> to vector<16xi32>
    %swap3A_199 = vector.shape_cast %add3A_193 : vector<16xi32> to vector<1x16xi32>
    tpu.vector_store %arg7[%swap3A_195, %swap3A_196], %swap3A_199 {strides = array<i32>} : memref<4x128xi32, #tpu.memory_space<vmem>>, vector<1x16xi32>,
    %get3A_200 = arith.constant 0 : i32
    %get3A_201 = arith.index_cast %get3A_200 : i32 to index
    %get3A_202 = arith.constant 208 : index
    %get3A_203 = tpu.vector_load %arg6[%get3A_201, %get3A_202] {strides = array<i32>} : memref<2x256xi32, #tpu.memory_space<vmem>>, vector<1x16xi32>,
    %get3A_204 = vector.shape_cast %get3A_203 : vector<1x16xi32> to vector<16xi32>
    %add3A_205 = vector.broadcast %mul3A_134 : i32 to vector<16xi32>
    %add3A_206 = arith.addi %get3A_204, %add3A_205 : vector<16xi32>
    %swap3A_207 = arith.constant 1 : i32
    %swap3A_208 = arith.index_cast %swap3A_207 : i32 to index
    %swap3A_209 = arith.constant 80 : index
    %swap3A_210 = tpu.vector_load %arg7[%swap3A_208, %swap3A_209] {strides = array<i32>} : memref<4x128xi32, #tpu.memory_space<vmem>>, vector<1x16xi32>,
    %swap3A_211 = vector.shape_cast %swap3A_210 : vector<1x16xi32> to vector<16xi32>
    %swap3A_212 = vector.shape_cast %add3A_206 : vector<16xi32> to vector<1x16xi32>
    tpu.vector_store %arg7[%swap3A_208, %swap3A_209], %swap3A_212 {strides = array<i32>} : memref<4x128xi32, #tpu.memory_space<vmem>>, vector<1x16xi32>,
    %get3A_213 = arith.constant 0 : i32
    %get3A_214 = arith.index_cast %get3A_213 : i32 to index
    %get3A_215 = arith.constant 224 : index
    %get3A_216 = tpu.vector_load %arg6[%get3A_214, %get3A_215] {strides = array<i32>} : memref<2x256xi32, #tpu.memory_space<vmem>>, vector<1x16xi32>,
    %get3A_217 = vector.shape_cast %get3A_216 : vector<1x16xi32> to vector<16xi32>
    %add3A_218 = vector.broadcast %mul3A_134 : i32 to vector<16xi32>
    %add3A_219 = arith.addi %get3A_217, %add3A_218 : vector<16xi32>
    %swap3A_220 = arith.constant 1 : i32
    %swap3A_221 = arith.index_cast %swap3A_220 : i32 to index
    %swap3A_222 = arith.constant 96 : index
    %swap3A_223 = tpu.vector_load %arg7[%swap3A_221, %swap3A_222] {strides = array<i32>} : memref<4x128xi32, #tpu.memory_space<vmem>>, vector<1x16xi32>,
    %swap3A_224 = vector.shape_cast %swap3A_223 : vector<1x16xi32> to vector<16xi32>
    %swap3A_225 = vector.shape_cast %add3A_219 : vector<16xi32> to vector<1x16xi32>
    tpu.vector_store %arg7[%swap3A_221, %swap3A_222], %swap3A_225 {strides = array<i32>} : memref<4x128xi32, #tpu.memory_space<vmem>>, vector<1x16xi32>,
    %get3A_226 = arith.constant 0 : i32
    %get3A_227 = arith.index_cast %get3A_226 : i32 to index
    %get3A_228 = arith.constant 240 : index
    %get3A_229 = tpu.vector_load %arg6[%get3A_227, %get3A_228] {strides = array<i32>} : memref<2x256xi32, #tpu.memory_space<vmem>>, vector<1x16xi32>,
    %get3A_230 = vector.shape_cast %get3A_229 : vector<1x16xi32> to vector<16xi32>
    %add3A_231 = vector.broadcast %mul3A_134 : i32 to vector<16xi32>
    %add3A_232 = arith.addi %get3A_230, %add3A_231 : vector<16xi32>
    %swap3A_233 = arith.constant 1 : i32
    %swap3A_234 = arith.index_cast %swap3A_233 : i32 to index
    %swap3A_235 = arith.constant 112 : index
    %swap3A_236 = tpu.vector_load %arg7[%swap3A_234, %swap3A_235] {strides = array<i32>} : memref<4x128xi32, #tpu.memory_space<vmem>>, vector<1x16xi32>,
    %swap3A_237 = vector.shape_cast %swap3A_236 : vector<1x16xi32> to vector<16xi32>
    %swap3A_238 = vector.shape_cast %add3A_232 : vector<16xi32> to vector<1x16xi32>
    tpu.vector_store %arg7[%swap3A_234, %swap3A_235], %swap3A_238 {strides = array<i32>} : memref<4x128xi32, #tpu.memory_space<vmem>>, vector<1x16xi32>,
    %add3A_239 = arith.constant 1 : i32
    %add3A_240 = arith.addi %mul3A_2, %add3A_239 : i32
    %mul3A_241 = arith.constant 2 : i32
    %mul3A_242 = arith.muli %add3A_240, %mul3A_241 : i32
    %mul3A_243 = arith.constant 1024 : i32
    %mul3A_244 = arith.muli %mul3A_242, %mul3A_243 : i32
    %get3A_245 = arith.constant 1 : i32
    %get3A_246 = arith.index_cast %get3A_245 : i32 to index
    %get3A_247 = arith.constant 0 : index
    %get3A_248 = tpu.vector_load %arg6[%get3A_246, %get3A_247] {strides = array<i32>} : memref<2x256xi32, #tpu.memory_space<vmem>>, vector<1x16xi32>,
    %get3A_249 = vector.shape_cast %get3A_248 : vector<1x16xi32> to vector<16xi32>
    %add3A_250 = vector.broadcast %mul3A_244 : i32 to vector<16xi32>
    %add3A_251 = arith.addi %get3A_249, %add3A_250 : vector<16xi32>
    %swap3A_252 = arith.constant 2 : i32
    %swap3A_253 = arith.index_cast %swap3A_252 : i32 to index
    %swap3A_254 = arith.constant 0 : index
    %swap3A_255 = tpu.vector_load %arg7[%swap3A_253, %swap3A_254] {strides = array<i32>} : memref<4x128xi32, #tpu.memory_space<vmem>>, vector<1x16xi32>,
    %swap3A_256 = vector.shape_cast %swap3A_255 : vector<1x16xi32> to vector<16xi32>
    %swap3A_257 = vector.shape_cast %add3A_251 : vector<16xi32> to vector<1x16xi32>
    tpu.vector_store %arg7[%swap3A_253, %swap3A_254], %swap3A_257 {strides = array<i32>} : memref<4x128xi32, #tpu.memory_space<vmem>>, vector<1x16xi32>,
    %get3A_258 = arith.constant 1 : i32
    %get3A_259 = arith.index_cast %get3A_258 : i32 to index
    %get3A_260 = arith.constant 16 : index
    %get3A_261 = tpu.vector_load %arg6[%get3A_259, %get3A_260] {strides = array<i32>} : memref<2x256xi32, #tpu.memory_space<vmem>>, vector<1x16xi32>,
    %get3A_262 = vector.shape_cast %get3A_261 : vector<1x16xi32> to vector<16xi32>
    %add3A_263 = vector.broadcast %mul3A_244 : i32 to vector<16xi32>
    %add3A_264 = arith.addi %get3A_262, %add3A_263 : vector<16xi32>
    %swap3A_265 = arith.constant 2 : i32
    %swap3A_266 = arith.index_cast %swap3A_265 : i32 to index
    %swap3A_267 = arith.constant 16 : index
    %swap3A_268 = tpu.vector_load %arg7[%swap3A_266, %swap3A_267] {strides = array<i32>} : memref<4x128xi32, #tpu.memory_space<vmem>>, vector<1x16xi32>,
    %swap3A_269 = vector.shape_cast %swap3A_268 : vector<1x16xi32> to vector<16xi32>
    %swap3A_270 = vector.shape_cast %add3A_264 : vector<16xi32> to vector<1x16xi32>
    tpu.vector_store %arg7[%swap3A_266, %swap3A_267], %swap3A_270 {strides = array<i32>} : memref<4x128xi32, #tpu.memory_space<vmem>>, vector<1x16xi32>,
    %get3A_271 = arith.constant 1 : i32
    %get3A_272 = arith.index_cast %get3A_271 : i32 to index
    %get3A_273 = arith.constant 32 : index
    %get3A_274 = tpu.vector_load %arg6[%get3A_272, %get3A_273] {strides = array<i32>} : memref<2x256xi32, #tpu.memory_space<vmem>>, vector<1x16xi32>,
    %get3A_275 = vector.shape_cast %get3A_274 : vector<1x16xi32> to vector<16xi32>
    %add3A_276 = vector.broadcast %mul3A_244 : i32 to vector<16xi32>
    %add3A_277 = arith.addi %get3A_275, %add3A_276 : vector<16xi32>
    %swap3A_278 = arith.constant 2 : i32
    %swap3A_279 = arith.index_cast %swap3A_278 : i32 to index
    %swap3A_280 = arith.constant 32 : index
    %swap3A_281 = tpu.vector_load %arg7[%swap3A_279, %swap3A_280] {strides = array<i32>} : memref<4x128xi32, #tpu.memory_space<vmem>>, vector<1x16xi32>,
    %swap3A_282 = vector.shape_cast %swap3A_281 : vector<1x16xi32> to vector<16xi32>
    %swap3A_283 = vector.shape_cast %add3A_277 : vector<16xi32> to vector<1x16xi32>
    tpu.vector_store %arg7[%swap3A_279, %swap3A_280], %swap3A_283 {strides = array<i32>} : memref<4x128xi32, #tpu.memory_space<vmem>>, vector<1x16xi32>,
    %get3A_284 = arith.constant 1 : i32
    %get3A_285 = arith.index_cast %get3A_284 : i32 to index
    %get3A_286 = arith.constant 48 : index
    %get3A_287 = tpu.vector_load %arg6[%get3A_285, %get3A_286] {strides = array<i32>} : memref<2x256xi32, #tpu.memory_space<vmem>>, vector<1x16xi32>,
    %get3A_288 = vector.shape_cast %get3A_287 : vector<1x16xi32> to vector<16xi32>
    %add3A_289 = vector.broadcast %mul3A_244 : i32 to vector<16xi32>
    %add3A_290 = arith.addi %get3A_288, %add3A_289 : vector<16xi32>
    %swap3A_291 = arith.constant 2 : i32
    %swap3A_292 = arith.index_cast %swap3A_291 : i32 to index
    %swap3A_293 = arith.constant 48 : index
    %swap3A_294 = tpu.vector_load %arg7[%swap3A_292, %swap3A_293] {strides = array<i32>} : memref<4x128xi32, #tpu.memory_space<vmem>>, vector<1x16xi32>,
    %swap3A_295 = vector.shape_cast %swap3A_294 : vector<1x16xi32> to vector<16xi32>
    %swap3A_296 = vector.shape_cast %add3A_290 : vector<16xi32> to vector<1x16xi32>
    tpu.vector_store %arg7[%swap3A_292, %swap3A_293], %swap3A_296 {strides = array<i32>} : memref<4x128xi32, #tpu.memory_space<vmem>>, vector<1x16xi32>,
    %get3A_297 = arith.constant 1 : i32
    %get3A_298 = arith.index_cast %get3A_297 : i32 to index
    %get3A_299 = arith.constant 64 : index
    %get3A_300 = tpu.vector_load %arg6[%get3A_298, %get3A_299] {strides = array<i32>} : memref<2x256xi32, #tpu.memory_space<vmem>>, vector<1x16xi32>,
    %get3A_301 = vector.shape_cast %get3A_300 : vector<1x16xi32> to vector<16xi32>
    %add3A_302 = vector.broadcast %mul3A_244 : i32 to vector<16xi32>
    %add3A_303 = arith.addi %get3A_301, %add3A_302 : vector<16xi32>
    %swap3A_304 = arith.constant 2 : i32
    %swap3A_305 = arith.index_cast %swap3A_304 : i32 to index
    %swap3A_306 = arith.constant 64 : index
    %swap3A_307 = tpu.vector_load %arg7[%swap3A_305, %swap3A_306] {strides = array<i32>} : memref<4x128xi32, #tpu.memory_space<vmem>>, vector<1x16xi32>,
    %swap3A_308 = vector.shape_cast %swap3A_307 : vector<1x16xi32> to vector<16xi32>
    %swap3A_309 = vector.shape_cast %add3A_303 : vector<16xi32> to vector<1x16xi32>
    tpu.vector_store %arg7[%swap3A_305, %swap3A_306], %swap3A_309 {strides = array<i32>} : memref<4x128xi32, #tpu.memory_space<vmem>>, vector<1x16xi32>,
    %get3A_310 = arith.constant 1 : i32
    %get3A_311 = arith.index_cast %get3A_310 : i32 to index
    %get3A_312 = arith.constant 80 : index
    %get3A_313 = tpu.vector_load %arg6[%get3A_311, %get3A_312] {strides = array<i32>} : memref<2x256xi32, #tpu.memory_space<vmem>>, vector<1x16xi32>,
    %get3A_314 = vector.shape_cast %get3A_313 : vector<1x16xi32> to vector<16xi32>
    %add3A_315 = vector.broadcast %mul3A_244 : i32 to vector<16xi32>
    %add3A_316 = arith.addi %get3A_314, %add3A_315 : vector<16xi32>
    %swap3A_317 = arith.constant 2 : i32
    %swap3A_318 = arith.index_cast %swap3A_317 : i32 to index
    %swap3A_319 = arith.constant 80 : index
    %swap3A_320 = tpu.vector_load %arg7[%swap3A_318, %swap3A_319] {strides = array<i32>} : memref<4x128xi32, #tpu.memory_space<vmem>>, vector<1x16xi32>,
    %swap3A_321 = vector.shape_cast %swap3A_320 : vector<1x16xi32> to vector<16xi32>
    %swap3A_322 = vector.shape_cast %add3A_316 : vector<16xi32> to vector<1x16xi32>
    tpu.vector_store %arg7[%swap3A_318, %swap3A_319], %swap3A_322 {strides = array<i32>} : memref<4x128xi32, #tpu.memory_space<vmem>>, vector<1x16xi32>,
    %get3A_323 = arith.constant 1 : i32
    %get3A_324 = arith.index_cast %get3A_323 : i32 to index
    %get3A_325 = arith.constant 96 : index
    %get3A_326 = tpu.vector_load %arg6[%get3A_324, %get3A_325] {strides = array<i32>} : memref<2x256xi32, #tpu.memory_space<vmem>>, vector<1x16xi32>,
    %get3A_327 = vector.shape_cast %get3A_326 : vector<1x16xi32> to vector<16xi32>
    %add3A_328 = vector.broadcast %mul3A_244 : i32 to vector<16xi32>
    %add3A_329 = arith.addi %get3A_327, %add3A_328 : vector<16xi32>
    %swap3A_330 = arith.constant 2 : i32
    %swap3A_331 = arith.index_cast %swap3A_330 : i32 to index
    %swap3A_332 = arith.constant 96 : index
    %swap3A_333 = tpu.vector_load %arg7[%swap3A_331, %swap3A_332] {strides = array<i32>} : memref<4x128xi32, #tpu.memory_space<vmem>>, vector<1x16xi32>,
    %swap3A_334 = vector.shape_cast %swap3A_333 : vector<1x16xi32> to vector<16xi32>
    %swap3A_335 = vector.shape_cast %add3A_329 : vector<16xi32> to vector<1x16xi32>
    tpu.vector_store %arg7[%swap3A_331, %swap3A_332], %swap3A_335 {strides = array<i32>} : memref<4x128xi32, #tpu.memory_space<vmem>>, vector<1x16xi32>,
    %get3A_336 = arith.constant 1 : i32
    %get3A_337 = arith.index_cast %get3A_336 : i32 to index
    %get3A_338 = arith.constant 112 : index
    %get3A_339 = tpu.vector_load %arg6[%get3A_337, %get3A_338] {strides = array<i32>} : memref<2x256xi32, #tpu.memory_space<vmem>>, vector<1x16xi32>,
    %get3A_340 = vector.shape_cast %get3A_339 : vector<1x16xi32> to vector<16xi32>
    %add3A_341 = vector.broadcast %mul3A_244 : i32 to vector<16xi32>
    %add3A_342 = arith.addi %get3A_340, %add3A_341 : vector<16xi32>
    %swap3A_343 = arith.constant 2 : i32
    %swap3A_344 = arith.index_cast %swap3A_343 : i32 to index
    %swap3A_345 = arith.constant 112 : index
    %swap3A_346 = tpu.vector_load %arg7[%swap3A_344, %swap3A_345] {strides = array<i32>} : memref<4x128xi32, #tpu.memory_space<vmem>>, vector<1x16xi32>,
    %swap3A_347 = vector.shape_cast %swap3A_346 : vector<1x16xi32> to vector<16xi32>
    %swap3A_348 = vector.shape_cast %add3A_342 : vector<16xi32> to vector<1x16xi32>
    tpu.vector_store %arg7[%swap3A_344, %swap3A_345], %swap3A_348 {strides = array<i32>} : memref<4x128xi32, #tpu.memory_space<vmem>>, vector<1x16xi32>,
    %add3A_349 = arith.constant 1 : i32
    %add3A_350 = arith.addi %mul3A_2, %add3A_349 : i32
    %mul3A_351 = arith.constant 2 : i32
    %mul3A_352 = arith.muli %add3A_350, %mul3A_351 : i32
    %mul3A_353 = arith.constant 1024 : i32
    %mul3A_354 = arith.muli %mul3A_352, %mul3A_353 : i32
    %get3A_355 = arith.constant 1 : i32
    %get3A_356 = arith.index_cast %get3A_355 : i32 to index
    %get3A_357 = arith.constant 128 : index
    %get3A_358 = tpu.vector_load %arg6[%get3A_356, %get3A_357] {strides = array<i32>} : memref<2x256xi32, #tpu.memory_space<vmem>>, vector<1x16xi32>,
    %get3A_359 = vector.shape_cast %get3A_358 : vector<1x16xi32> to vector<16xi32>
    %add3A_360 = vector.broadcast %mul3A_354 : i32 to vector<16xi32>
    %add3A_361 = arith.addi %get3A_359, %add3A_360 : vector<16xi32>
    %swap3A_362 = arith.constant 3 : i32
    %swap3A_363 = arith.index_cast %swap3A_362 : i32 to index
    %swap3A_364 = arith.constant 0 : index
    %swap3A_365 = tpu.vector_load %arg7[%swap3A_363, %swap3A_364] {strides = array<i32>} : memref<4x128xi32, #tpu.memory_space<vmem>>, vector<1x16xi32>,
    %swap3A_366 = vector.shape_cast %swap3A_365 : vector<1x16xi32> to vector<16xi32>
    %swap3A_367 = vector.shape_cast %add3A_361 : vector<16xi32> to vector<1x16xi32>
    tpu.vector_store %arg7[%swap3A_363, %swap3A_364], %swap3A_367 {strides = array<i32>} : memref<4x128xi32, #tpu.memory_space<vmem>>, vector<1x16xi32>,
    %get3A_368 = arith.constant 1 : i32
    %get3A_369 = arith.index_cast %get3A_368 : i32 to index
    %get3A_370 = arith.constant 144 : index
    %get3A_371 = tpu.vector_load %arg6[%get3A_369, %get3A_370] {strides = array<i32>} : memref<2x256xi32, #tpu.memory_space<vmem>>, vector<1x16xi32>,
    %get3A_372 = vector.shape_cast %get3A_371 : vector<1x16xi32> to vector<16xi32>
    %add3A_373 = vector.broadcast %mul3A_354 : i32 to vector<16xi32>
    %add3A_374 = arith.addi %get3A_372, %add3A_373 : vector<16xi32>
    %swap3A_375 = arith.constant 3 : i32
    %swap3A_376 = arith.index_cast %swap3A_375 : i32 to index
    %swap3A_377 = arith.constant 16 : index
    %swap3A_378 = tpu.vector_load %arg7[%swap3A_376, %swap3A_377] {strides = array<i32>} : memref<4x128xi32, #tpu.memory_space<vmem>>, vector<1x16xi32>,
    %swap3A_379 = vector.shape_cast %swap3A_378 : vector<1x16xi32> to vector<16xi32>
    %swap3A_380 = vector.shape_cast %add3A_374 : vector<16xi32> to vector<1x16xi32>
    tpu.vector_store %arg7[%swap3A_376, %swap3A_377], %swap3A_380 {strides = array<i32>} : memref<4x128xi32, #tpu.memory_space<vmem>>, vector<1x16xi32>,
    %get3A_381 = arith.constant 1 : i32
    %get3A_382 = arith.index_cast %get3A_381 : i32 to index
    %get3A_383 = arith.constant 160 : index
    %get3A_384 = tpu.vector_load %arg6[%get3A_382, %get3A_383] {strides = array<i32>} : memref<2x256xi32, #tpu.memory_space<vmem>>, vector<1x16xi32>,
    %get3A_385 = vector.shape_cast %get3A_384 : vector<1x16xi32> to vector<16xi32>
    %add3A_386 = vector.broadcast %mul3A_354 : i32 to vector<16xi32>
    %add3A_387 = arith.addi %get3A_385, %add3A_386 : vector<16xi32>
    %swap3A_388 = arith.constant 3 : i32
    %swap3A_389 = arith.index_cast %swap3A_388 : i32 to index
    %swap3A_390 = arith.constant 32 : index
    %swap3A_391 = tpu.vector_load %arg7[%swap3A_389, %swap3A_390] {strides = array<i32>} : memref<4x128xi32, #tpu.memory_space<vmem>>, vector<1x16xi32>,
    %swap3A_392 = vector.shape_cast %swap3A_391 : vector<1x16xi32> to vector<16xi32>
    %swap3A_393 = vector.shape_cast %add3A_387 : vector<16xi32> to vector<1x16xi32>
    tpu.vector_store %arg7[%swap3A_389, %swap3A_390], %swap3A_393 {strides = array<i32>} : memref<4x128xi32, #tpu.memory_space<vmem>>, vector<1x16xi32>,
    %get3A_394 = arith.constant 1 : i32
    %get3A_395 = arith.index_cast %get3A_394 : i32 to index
    %get3A_396 = arith.constant 176 : index
    %get3A_397 = tpu.vector_load %arg6[%get3A_395, %get3A_396] {strides = array<i32>} : memref<2x256xi32, #tpu.memory_space<vmem>>, vector<1x16xi32>,
    %get3A_398 = vector.shape_cast %get3A_397 : vector<1x16xi32> to vector<16xi32>
    %add3A_399 = vector.broadcast %mul3A_354 : i32 to vector<16xi32>
    %add3A_400 = arith.addi %get3A_398, %add3A_399 : vector<16xi32>
    %swap3A_401 = arith.constant 3 : i32
    %swap3A_402 = arith.index_cast %swap3A_401 : i32 to index
    %swap3A_403 = arith.constant 48 : index
    %swap3A_404 = tpu.vector_load %arg7[%swap3A_402, %swap3A_403] {strides = array<i32>} : memref<4x128xi32, #tpu.memory_space<vmem>>, vector<1x16xi32>,
    %swap3A_405 = vector.shape_cast %swap3A_404 : vector<1x16xi32> to vector<16xi32>
    %swap3A_406 = vector.shape_cast %add3A_400 : vector<16xi32> to vector<1x16xi32>
    tpu.vector_store %arg7[%swap3A_402, %swap3A_403], %swap3A_406 {strides = array<i32>} : memref<4x128xi32, #tpu.memory_space<vmem>>, vector<1x16xi32>,
    %get3A_407 = arith.constant 1 : i32
    %get3A_408 = arith.index_cast %get3A_407 : i32 to index
    %get3A_409 = arith.constant 192 : index
    %get3A_410 = tpu.vector_load %arg6[%get3A_408, %get3A_409] {strides = array<i32>} : memref<2x256xi32, #tpu.memory_space<vmem>>, vector<1x16xi32>,
    %get3A_411 = vector.shape_cast %get3A_410 : vector<1x16xi32> to vector<16xi32>
    %add3A_412 = vector.broadcast %mul3A_354 : i32 to vector<16xi32>
    %add3A_413 = arith.addi %get3A_411, %add3A_412 : vector<16xi32>
    %swap3A_414 = arith.constant 3 : i32
    %swap3A_415 = arith.index_cast %swap3A_414 : i32 to index
    %swap3A_416 = arith.constant 64 : index
    %swap3A_417 = tpu.vector_load %arg7[%swap3A_415, %swap3A_416] {strides = array<i32>} : memref<4x128xi32, #tpu.memory_space<vmem>>, vector<1x16xi32>,
    %swap3A_418 = vector.shape_cast %swap3A_417 : vector<1x16xi32> to vector<16xi32>
    %swap3A_419 = vector.shape_cast %add3A_413 : vector<16xi32> to vector<1x16xi32>
    tpu.vector_store %arg7[%swap3A_415, %swap3A_416], %swap3A_419 {strides = array<i32>} : memref<4x128xi32, #tpu.memory_space<vmem>>, vector<1x16xi32>,
    %get3A_420 = arith.constant 1 : i32
    %get3A_421 = arith.index_cast %get3A_420 : i32 to index
    %get3A_422 = arith.constant 208 : index
    %get3A_423 = tpu.vector_load %arg6[%get3A_421, %get3A_422] {strides = array<i32>} : memref<2x256xi32, #tpu.memory_space<vmem>>, vector<1x16xi32>,
    %get3A_424 = vector.shape_cast %get3A_423 : vector<1x16xi32> to vector<16xi32>
    %add3A_425 = vector.broadcast %mul3A_354 : i32 to vector<16xi32>
    %add3A_426 = arith.addi %get3A_424, %add3A_425 : vector<16xi32>
    %swap3A_427 = arith.constant 3 : i32
    %swap3A_428 = arith.index_cast %swap3A_427 : i32 to index
    %swap3A_429 = arith.constant 80 : index
    %swap3A_430 = tpu.vector_load %arg7[%swap3A_428, %swap3A_429] {strides = array<i32>} : memref<4x128xi32, #tpu.memory_space<vmem>>, vector<1x16xi32>,
    %swap3A_431 = vector.shape_cast %swap3A_430 : vector<1x16xi32> to vector<16xi32>
    %swap3A_432 = vector.shape_cast %add3A_426 : vector<16xi32> to vector<1x16xi32>
    tpu.vector_store %arg7[%swap3A_428, %swap3A_429], %swap3A_432 {strides = array<i32>} : memref<4x128xi32, #tpu.memory_space<vmem>>, vector<1x16xi32>,
    %get3A_433 = arith.constant 1 : i32
    %get3A_434 = arith.index_cast %get3A_433 : i32 to index
    %get3A_435 = arith.constant 224 : index
    %get3A_436 = tpu.vector_load %arg6[%get3A_434, %get3A_435] {strides = array<i32>} : memref<2x256xi32, #tpu.memory_space<vmem>>, vector<1x16xi32>,
    %get3A_437 = vector.shape_cast %get3A_436 : vector<1x16xi32> to vector<16xi32>
    %add3A_438 = vector.broadcast %mul3A_354 : i32 to vector<16xi32>
    %add3A_439 = arith.addi %get3A_437, %add3A_438 : vector<16xi32>
    %swap3A_440 = arith.constant 3 : i32
    %swap3A_441 = arith.index_cast %swap3A_440 : i32 to index
    %swap3A_442 = arith.constant 96 : index
    %swap3A_443 = tpu.vector_load %arg7[%swap3A_441, %swap3A_442] {strides = array<i32>} : memref<4x128xi32, #tpu.memory_space<vmem>>, vector<1x16xi32>,
    %swap3A_444 = vector.shape_cast %swap3A_443 : vector<1x16xi32> to vector<16xi32>
    %swap3A_445 = vector.shape_cast %add3A_439 : vector<16xi32> to vector<1x16xi32>
    tpu.vector_store %arg7[%swap3A_441, %swap3A_442], %swap3A_445 {strides = array<i32>} : memref<4x128xi32, #tpu.memory_space<vmem>>, vector<1x16xi32>,
    %get3A_446 = arith.constant 1 : i32
    %get3A_447 = arith.index_cast %get3A_446 : i32 to index
    %get3A_448 = arith.constant 240 : index
    %get3A_449 = tpu.vector_load %arg6[%get3A_447, %get3A_448] {strides = array<i32>} : memref<2x256xi32, #tpu.memory_space<vmem>>, vector<1x16xi32>,
    %get3A_450 = vector.shape_cast %get3A_449 : vector<1x16xi32> to vector<16xi32>
    %add3A_451 = vector.broadcast %mul3A_354 : i32 to vector<16xi32>
    %add3A_452 = arith.addi %get3A_450, %add3A_451 : vector<16xi32>
    %swap3A_453 = arith.constant 3 : i32
    %swap3A_454 = arith.index_cast %swap3A_453 : i32 to index
    %swap3A_455 = arith.constant 112 : index
    %swap3A_456 = tpu.vector_load %arg7[%swap3A_454, %swap3A_455] {strides = array<i32>} : memref<4x128xi32, #tpu.memory_space<vmem>>, vector<1x16xi32>,
    %swap3A_457 = vector.shape_cast %swap3A_456 : vector<1x16xi32> to vector<16xi32>
    %swap3A_458 = vector.shape_cast %add3A_452 : vector<16xi32> to vector<1x16xi32>
    tpu.vector_store %arg7[%swap3A_454, %swap3A_455], %swap3A_458 {strides = array<i32>} : memref<4x128xi32, #tpu.memory_space<vmem>>, vector<1x16xi32>,
    %dma_wait3A = arith.constant 0 : i32
    %dma_wait3A_459 = arith.constant 0 : i32
    %dma_wait3A_460 = arith.constant 0 : i32
    %dma_wait3A_461 = tpu.memref_slice %arg8[%dma_wait3A, %dma_wait3A_459, %dma_wait3A_460] : memref<2x128x384xf32, #tpu.memory_space<vmem>> -> memref<1x128x384xf32, #tpu.memory_space<vmem>>
    %dma_wait3A_462 = tpu.memref_squeeze %dma_wait3A_461 : memref<1x128x384xf32, #tpu.memory_space<vmem>> -> memref<128x384xf32, #tpu.memory_space<vmem>>
    %dma_wait3A_463 = arith.constant 0 : i32
    %dma_wait3A_464 = arith.constant 0 : i32
    %dma_wait3A_465 = tpu.memref_slice %arg2[%add3A_4, %dma_wait3A_463, %dma_wait3A_464] : memref<64x256x384xf32, #tpu.memory_space<hbm>> -> memref<1x128x384xf32, #tpu.memory_space<hbm>>
    %dma_wait3A_466 = tpu.memref_squeeze %dma_wait3A_465 : memref<1x128x384xf32, #tpu.memory_space<hbm>> -> memref<128x384xf32, #tpu.memory_space<hbm>>
    %dma_wait3A_467 = arith.constant 0 : i32
    %dma_wait3A_468 = arith.constant 0 : i32
    %dma_wait3A_469 = tpu.memref_slice %arg8[%dma_wait3A, %dma_wait3A_467, %dma_wait3A_468] : memref<2x128x384xf32, #tpu.memory_space<vmem>> -> memref<1x128x384xf32, #tpu.memory_space<vmem>>
    %dma_wait3A_470 = tpu.memref_squeeze %dma_wait3A_469 : memref<1x128x384xf32, #tpu.memory_space<vmem>> -> memref<128x384xf32, #tpu.memory_space<vmem>>
    %dma_wait3A_471 = arith.constant 0 : i32
    %dma_wait3A_472 = arith.constant 0 : i32
    %dma_wait3A_473 = tpu.memref_slice %arg2[%add3A_4, %dma_wait3A_471, %dma_wait3A_472] : memref<64x256x384xf32, #tpu.memory_space<hbm>> -> memref<1x128x384xf32, #tpu.memory_space<hbm>>
    %dma_wait3A_474 = tpu.memref_squeeze %dma_wait3A_473 : memref<1x128x384xf32, #tpu.memory_space<hbm>> -> memref<128x384xf32, #tpu.memory_space<hbm>>
    tpu.wait_dma2 semaphore(%arg9 : memref<!tpu.dma_semaphore, #tpu.memory_space<semaphore_mem>>) src(%dma_wait3A_474 : memref<128x384xf32, #tpu.memory_space<hbm>>) dst(%dma_wait3A_470 : memref<128x384xf32, #tpu.memory_space<vmem>>)
    %dma_start3A_475 = arith.constant 0 : i32
    %dma_start3A_476 = arith.constant 0 : i32
    %dma_start3A_477 = arith.constant 0 : i32
    %dma_start3A_478 = arith.constant 0 : i32
    %dma_start3A_479 = tpu.memref_slice %arg8[%dma_start3A_475, %dma_start3A_477, %dma_start3A_478] : memref<2x128x384xf32, #tpu.memory_space<vmem>> -> memref<1x128x384xf32, #tpu.memory_space<vmem>>
    %dma_start3A_480 = tpu.memref_squeeze %dma_start3A_479 : memref<1x128x384xf32, #tpu.memory_space<vmem>> -> memref<128x384xf32, #tpu.memory_space<vmem>>
    %dma_start3A_481 = arith.constant 0 : i32
    %dma_start3A_482 = tpu.memref_slice %arg7[%dma_start3A_476, %dma_start3A_481] : memref<4x128xi32, #tpu.memory_space<vmem>> -> memref<1x128xi32, #tpu.memory_space<vmem>>
    %dma_start3A_483 = tpu.memref_squeeze %dma_start3A_482 : memref<1x128xi32, #tpu.memory_space<vmem>> -> memref<128xi32, #tpu.memory_space<vmem>>
    %dma_start3A_484 = arith.constant 0 : i32
    %dma_start3A_485 = arith.constant 0 : i32
    %dma_start3A_486 = tpu.memref_slice %arg4[%dma_start3A_484, %dma_start3A_485] : memref<131072x384xf32, #tpu.memory_space<hbm>> -> memref<131072x384xf32, #tpu.memory_space<hbm>>
    tpu.enqueue_indirect_dma source(%dma_start3A_480 : memref<128x384xf32, #tpu.memory_space<vmem>>) target(%dma_start3A_486 : memref<131072x384xf32, #tpu.memory_space<hbm>>) offsets(%dma_start3A_483 : memref<128xi32, #tpu.memory_space<vmem>>) semaphore(%arg11 : memref<!tpu.dma_semaphore, #tpu.memory_space<semaphore_mem>>)
    %add3A_487 = arith.constant 0 : i32
    %add3A_488 = arith.addi %mul3A_2, %add3A_487 : i32
    %dma_start3A_489 = arith.constant 1 : i32
    %dma_start3A_490 = arith.constant 0 : i32
    %dma_start3A_491 = arith.constant 0 : i32
    %dma_start3A_492 = tpu.memref_slice %arg8[%dma_start3A_489, %dma_start3A_490, %dma_start3A_491] : memref<2x128x384xf32, #tpu.memory_space<vmem>> -> memref<1x128x384xf32, #tpu.memory_space<vmem>>
    %dma_start3A_493 = tpu.memref_squeeze %dma_start3A_492 : memref<1x128x384xf32, #tpu.memory_space<vmem>> -> memref<128x384xf32, #tpu.memory_space<vmem>>
    %dma_start3A_494 = arith.constant 128 : i32
    %dma_start3A_495 = arith.constant 0 : i32
    %dma_start3A_496 = tpu.memref_slice %arg2[%add3A_488, %dma_start3A_494, %dma_start3A_495] : memref<64x256x384xf32, #tpu.memory_space<hbm>> -> memref<1x128x384xf32, #tpu.memory_space<hbm>>
    %dma_start3A_497 = tpu.memref_squeeze %dma_start3A_496 : memref<1x128x384xf32, #tpu.memory_space<hbm>> -> memref<128x384xf32, #tpu.memory_space<hbm>>
    %dma_start3A_498 = arith.constant 0 : i32
    %dma_start3A_499 = arith.constant 0 : i32
    %dma_start3A_500 = tpu.memref_slice %arg8[%dma_start3A_489, %dma_start3A_498, %dma_start3A_499] : memref<2x128x384xf32, #tpu.memory_space<vmem>> -> memref<1x128x384xf32, #tpu.memory_space<vmem>>
    %dma_start3A_501 = tpu.memref_squeeze %dma_start3A_500 : memref<1x128x384xf32, #tpu.memory_space<vmem>> -> memref<128x384xf32, #tpu.memory_space<vmem>>
    %dma_start3A_502 = arith.constant 128 : i32
    %dma_start3A_503 = arith.constant 0 : i32
    %dma_start3A_504 = tpu.memref_slice %arg2[%add3A_488, %dma_start3A_502, %dma_start3A_503] : memref<64x256x384xf32, #tpu.memory_space<hbm>> -> memref<1x128x384xf32, #tpu.memory_space<hbm>>
    %dma_start3A_505 = tpu.memref_squeeze %dma_start3A_504 : memref<1x128x384xf32, #tpu.memory_space<hbm>> -> memref<128x384xf32, #tpu.memory_space<hbm>>
    tpu.enqueue_dma source(%dma_start3A_505 : memref<128x384xf32, #tpu.memory_space<hbm>>) target(%dma_start3A_501 : memref<128x384xf32, #tpu.memory_space<vmem>>) target_semaphore(%arg10 : memref<!tpu.dma_semaphore, #tpu.memory_space<semaphore_mem>>)
    %dma_wait3A_506 = arith.constant 1 : i32
    %dma_wait3A_507 = arith.constant 0 : i32
    %dma_wait3A_508 = arith.constant 0 : i32
    %dma_wait3A_509 = tpu.memref_slice %arg8[%dma_wait3A_506, %dma_wait3A_507, %dma_wait3A_508] : memref<2x128x384xf32, #tpu.memory_space<vmem>> -> memref<1x128x384xf32, #tpu.memory_space<vmem>>
    %dma_wait3A_510 = tpu.memref_squeeze %dma_wait3A_509 : memref<1x128x384xf32, #tpu.memory_space<vmem>> -> memref<128x384xf32, #tpu.memory_space<vmem>>
    %dma_wait3A_511 = arith.constant 128 : i32
    %dma_wait3A_512 = arith.constant 0 : i32
    %dma_wait3A_513 = tpu.memref_slice %arg2[%add3A_488, %dma_wait3A_511, %dma_wait3A_512] : memref<64x256x384xf32, #tpu.memory_space<hbm>> -> memref<1x128x384xf32, #tpu.memory_space<hbm>>
    %dma_wait3A_514 = tpu.memref_squeeze %dma_wait3A_513 : memref<1x128x384xf32, #tpu.memory_space<hbm>> -> memref<128x384xf32, #tpu.memory_space<hbm>>
    %dma_wait3A_515 = arith.constant 0 : i32
    %dma_wait3A_516 = arith.constant 0 : i32
    %dma_wait3A_517 = tpu.memref_slice %arg8[%dma_wait3A_506, %dma_wait3A_515, %dma_wait3A_516] : memref<2x128x384xf32, #tpu.memory_space<vmem>> -> memref<1x128x384xf32, #tpu.memory_space<vmem>>
    %dma_wait3A_518 = tpu.memref_squeeze %dma_wait3A_517 : memref<1x128x384xf32, #tpu.memory_space<vmem>> -> memref<128x384xf32, #tpu.memory_space<vmem>>
    %dma_wait3A_519 = arith.constant 128 : i32
    %dma_wait3A_520 = arith.constant 0 : i32
    %dma_wait3A_521 = tpu.memref_slice %arg2[%add3A_488, %dma_wait3A_519, %dma_wait3A_520] : memref<64x256x384xf32, #tpu.memory_space<hbm>> -> memref<1x128x384xf32, #tpu.memory_space<hbm>>
    %dma_wait3A_522 = tpu.memref_squeeze %dma_wait3A_521 : memref<1x128x384xf32, #tpu.memory_space<hbm>> -> memref<128x384xf32, #tpu.memory_space<hbm>>
    tpu.wait_dma2 semaphore(%arg10 : memref<!tpu.dma_semaphore, #tpu.memory_space<semaphore_mem>>) src(%dma_wait3A_522 : memref<128x384xf32, #tpu.memory_space<hbm>>) dst(%dma_wait3A_518 : memref<128x384xf32, #tpu.memory_space<vmem>>)
    %dma_start3A_523 = arith.constant 1 : i32
    %dma_start3A_524 = arith.constant 1 : i32
    %dma_start3A_525 = arith.constant 0 : i32
    %dma_start3A_526 = arith.constant 0 : i32
    %dma_start3A_527 = tpu.memref_slice %arg8[%dma_start3A_523, %dma_start3A_525, %dma_start3A_526] : memref<2x128x384xf32, #tpu.memory_space<vmem>> -> memref<1x128x384xf32, #tpu.memory_space<vmem>>
    %dma_start3A_528 = tpu.memref_squeeze %dma_start3A_527 : memref<1x128x384xf32, #tpu.memory_space<vmem>> -> memref<128x384xf32, #tpu.memory_space<vmem>>
    %dma_start3A_529 = arith.constant 0 : i32
    %dma_start3A_530 = tpu.memref_slice %arg7[%dma_start3A_524, %dma_start3A_529] : memref<4x128xi32, #tpu.memory_space<vmem>> -> memref<1x128xi32, #tpu.memory_space<vmem>>
    %dma_start3A_531 = tpu.memref_squeeze %dma_start3A_530 : memref<1x128xi32, #tpu.memory_space<vmem>> -> memref<128xi32, #tpu.memory_space<vmem>>
    %dma_start3A_532 = arith.constant 0 : i32
    %dma_start3A_533 = arith.constant 0 : i32
    %dma_start3A_534 = tpu.memref_slice %arg4[%dma_start3A_532, %dma_start3A_533] : memref<131072x384xf32, #tpu.memory_space<hbm>> -> memref<131072x384xf32, #tpu.memory_space<hbm>>
    tpu.enqueue_indirect_dma source(%dma_start3A_528 : memref<128x384xf32, #tpu.memory_space<vmem>>) target(%dma_start3A_534 : memref<131072x384xf32, #tpu.memory_space<hbm>>) offsets(%dma_start3A_531 : memref<128xi32, #tpu.memory_space<vmem>>) semaphore(%arg12 : memref<!tpu.dma_semaphore, #tpu.memory_space<semaphore_mem>>)
    %dma_wait3A_535 = arith.constant 0 : i32
    %dma_wait3A_536 = arith.constant 0 : i32
    %dma_wait3A_537 = arith.constant 0 : i32
    %dma_wait3A_538 = arith.constant 0 : i32
    %dma_wait3A_539 = tpu.memref_slice %arg8[%dma_wait3A_535, %dma_wait3A_537, %dma_wait3A_538] : memref<2x128x384xf32, #tpu.memory_space<vmem>> -> memref<1x128x384xf32, #tpu.memory_space<vmem>>
    %dma_wait3A_540 = tpu.memref_squeeze %dma_wait3A_539 : memref<1x128x384xf32, #tpu.memory_space<vmem>> -> memref<128x384xf32, #tpu.memory_space<vmem>>
    %dma_wait3A_541 = arith.constant 0 : i32
    %dma_wait3A_542 = tpu.memref_slice %arg7[%dma_wait3A_536, %dma_wait3A_541] : memref<4x128xi32, #tpu.memory_space<vmem>> -> memref<1x128xi32, #tpu.memory_space<vmem>>
    %dma_wait3A_543 = tpu.memref_squeeze %dma_wait3A_542 : memref<1x128xi32, #tpu.memory_space<vmem>> -> memref<128xi32, #tpu.memory_space<vmem>>
    %dma_wait3A_544 = arith.constant 0 : i32
    %dma_wait3A_545 = arith.constant 0 : i32
    %dma_wait3A_546 = tpu.memref_slice %arg4[%dma_wait3A_544, %dma_wait3A_545] : memref<131072x384xf32, #tpu.memory_space<hbm>> -> memref<131072x384xf32, #tpu.memory_space<hbm>>
    tpu.wait_indirect_dma semaphore(%arg11 : memref<!tpu.dma_semaphore, #tpu.memory_space<semaphore_mem>>) src(%dma_wait3A_540 : memref<128x384xf32, #tpu.memory_space<vmem>>) dst(%dma_wait3A_546 : memref<131072x384xf32, #tpu.memory_space<hbm>>)
    %add3A_547 = arith.constant 1 : i32
    %add3A_548 = arith.addi %mul3A_2, %add3A_547 : i32
    %dma_start3A_549 = arith.constant 0 : i32
    %dma_start3A_550 = arith.constant 0 : i32
    %dma_start3A_551 = arith.constant 0 : i32
    %dma_start3A_552 = tpu.memref_slice %arg8[%dma_start3A_549, %dma_start3A_550, %dma_start3A_551] : memref<2x128x384xf32, #tpu.memory_space<vmem>> -> memref<1x128x384xf32, #tpu.memory_space<vmem>>
    %dma_start3A_553 = tpu.memref_squeeze %dma_start3A_552 : memref<1x128x384xf32, #tpu.memory_space<vmem>> -> memref<128x384xf32, #tpu.memory_space<vmem>>
    %dma_start3A_554 = arith.constant 0 : i32
    %dma_start3A_555 = arith.constant 0 : i32
    %dma_start3A_556 = tpu.memref_slice %arg2[%add3A_548, %dma_start3A_554, %dma_start3A_555] : memref<64x256x384xf32, #tpu.memory_space<hbm>> -> memref<1x128x384xf32, #tpu.memory_space<hbm>>
    %dma_start3A_557 = tpu.memref_squeeze %dma_start3A_556 : memref<1x128x384xf32, #tpu.memory_space<hbm>> -> memref<128x384xf32, #tpu.memory_space<hbm>>
    %dma_start3A_558 = arith.constant 0 : i32
    %dma_start3A_559 = arith.constant 0 : i32
    %dma_start3A_560 = tpu.memref_slice %arg8[%dma_start3A_549, %dma_start3A_558, %dma_start3A_559] : memref<2x128x384xf32, #tpu.memory_space<vmem>> -> memref<1x128x384xf32, #tpu.memory_space<vmem>>
    %dma_start3A_561 = tpu.memref_squeeze %dma_start3A_560 : memref<1x128x384xf32, #tpu.memory_space<vmem>> -> memref<128x384xf32, #tpu.memory_space<vmem>>
    %dma_start3A_562 = arith.constant 0 : i32
    %dma_start3A_563 = arith.constant 0 : i32
    %dma_start3A_564 = tpu.memref_slice %arg2[%add3A_548, %dma_start3A_562, %dma_start3A_563] : memref<64x256x384xf32, #tpu.memory_space<hbm>> -> memref<1x128x384xf32, #tpu.memory_space<hbm>>
    %dma_start3A_565 = tpu.memref_squeeze %dma_start3A_564 : memref<1x128x384xf32, #tpu.memory_space<hbm>> -> memref<128x384xf32, #tpu.memory_space<hbm>>
    tpu.enqueue_dma source(%dma_start3A_565 : memref<128x384xf32, #tpu.memory_space<hbm>>) target(%dma_start3A_561 : memref<128x384xf32, #tpu.memory_space<vmem>>) target_semaphore(%arg9 : memref<!tpu.dma_semaphore, #tpu.memory_space<semaphore_mem>>)
    %dma_wait3A_566 = arith.constant 0 : i32
    %dma_wait3A_567 = arith.constant 0 : i32
    %dma_wait3A_568 = arith.constant 0 : i32
    %dma_wait3A_569 = tpu.memref_slice %arg8[%dma_wait3A_566, %dma_wait3A_567, %dma_wait3A_568] : memref<2x128x384xf32, #tpu.memory_space<vmem>> -> memref<1x128x384xf32, #tpu.memory_space<vmem>>
    %dma_wait3A_570 = tpu.memref_squeeze %dma_wait3A_569 : memref<1x128x384xf32, #tpu.memory_space<vmem>> -> memref<128x384xf32, #tpu.memory_space<vmem>>
    %dma_wait3A_571 = arith.constant 0 : i32
    %dma_wait3A_572 = arith.constant 0 : i32
    %dma_wait3A_573 = tpu.memref_slice %arg2[%add3A_548, %dma_wait3A_571, %dma_wait3A_572] : memref<64x256x384xf32, #tpu.memory_space<hbm>> -> memref<1x128x384xf32, #tpu.memory_space<hbm>>
    %dma_wait3A_574 = tpu.memref_squeeze %dma_wait3A_573 : memref<1x128x384xf32, #tpu.memory_space<hbm>> -> memref<128x384xf32, #tpu.memory_space<hbm>>
    %dma_wait3A_575 = arith.constant 0 : i32
    %dma_wait3A_576 = arith.constant 0 : i32
    %dma_wait3A_577 = tpu.memref_slice %arg8[%dma_wait3A_566, %dma_wait3A_575, %dma_wait3A_576] : memref<2x128x384xf32, #tpu.memory_space<vmem>> -> memref<1x128x384xf32, #tpu.memory_space<vmem>>
    %dma_wait3A_578 = tpu.memref_squeeze %dma_wait3A_577 : memref<1x128x384xf32, #tpu.memory_space<vmem>> -> memref<128x384xf32, #tpu.memory_space<vmem>>
    %dma_wait3A_579 = arith.constant 0 : i32
    %dma_wait3A_580 = arith.constant 0 : i32
    %dma_wait3A_581 = tpu.memref_slice %arg2[%add3A_548, %dma_wait3A_579, %dma_wait3A_580] : memref<64x256x384xf32, #tpu.memory_space<hbm>> -> memref<1x128x384xf32, #tpu.memory_space<hbm>>
    %dma_wait3A_582 = tpu.memref_squeeze %dma_wait3A_581 : memref<1x128x384xf32, #tpu.memory_space<hbm>> -> memref<128x384xf32, #tpu.memory_space<hbm>>
    tpu.wait_dma2 semaphore(%arg9 : memref<!tpu.dma_semaphore, #tpu.memory_space<semaphore_mem>>) src(%dma_wait3A_582 : memref<128x384xf32, #tpu.memory_space<hbm>>) dst(%dma_wait3A_578 : memref<128x384xf32, #tpu.memory_space<vmem>>)
    %dma_start3A_583 = arith.constant 0 : i32
    %dma_start3A_584 = arith.constant 2 : i32
    %dma_start3A_585 = arith.constant 0 : i32
    %dma_start3A_586 = arith.constant 0 : i32
    %dma_start3A_587 = tpu.memref_slice %arg8[%dma_start3A_583, %dma_start3A_585, %dma_start3A_586] : memref<2x128x384xf32, #tpu.memory_space<vmem>> -> memref<1x128x384xf32, #tpu.memory_space<vmem>>
    %dma_start3A_588 = tpu.memref_squeeze %dma_start3A_587 : memref<1x128x384xf32, #tpu.memory_space<vmem>> -> memref<128x384xf32, #tpu.memory_space<vmem>>
    %dma_start3A_589 = arith.constant 0 : i32
    %dma_start3A_590 = tpu.memref_slice %arg7[%dma_start3A_584, %dma_start3A_589] : memref<4x128xi32, #tpu.memory_space<vmem>> -> memref<1x128xi32, #tpu.memory_space<vmem>>
    %dma_start3A_591 = tpu.memref_squeeze %dma_start3A_590 : memref<1x128xi32, #tpu.memory_space<vmem>> -> memref<128xi32, #tpu.memory_space<vmem>>
    %dma_start3A_592 = arith.constant 0 : i32
    %dma_start3A_593 = arith.constant 0 : i32
    %dma_start3A_594 = tpu.memref_slice %arg4[%dma_start3A_592, %dma_start3A_593] : memref<131072x384xf32, #tpu.memory_space<hbm>> -> memref<131072x384xf32, #tpu.memory_space<hbm>>
    tpu.enqueue_indirect_dma source(%dma_start3A_588 : memref<128x384xf32, #tpu.memory_space<vmem>>) target(%dma_start3A_594 : memref<131072x384xf32, #tpu.memory_space<hbm>>) offsets(%dma_start3A_591 : memref<128xi32, #tpu.memory_space<vmem>>) semaphore(%arg11 : memref<!tpu.dma_semaphore, #tpu.memory_space<semaphore_mem>>)
    %dma_wait3A_595 = arith.constant 1 : i32
    %dma_wait3A_596 = arith.constant 1 : i32
    %dma_wait3A_597 = arith.constant 0 : i32
    %dma_wait3A_598 = arith.constant 0 : i32
    %dma_wait3A_599 = tpu.memref_slice %arg8[%dma_wait3A_595, %dma_wait3A_597, %dma_wait3A_598] : memref<2x128x384xf32, #tpu.memory_space<vmem>> -> memref<1x128x384xf32, #tpu.memory_space<vmem>>
    %dma_wait3A_600 = tpu.memref_squeeze %dma_wait3A_599 : memref<1x128x384xf32, #tpu.memory_space<vmem>> -> memref<128x384xf32, #tpu.memory_space<vmem>>
    %dma_wait3A_601 = arith.constant 0 : i32
    %dma_wait3A_602 = tpu.memref_slice %arg7[%dma_wait3A_596, %dma_wait3A_601] : memref<4x128xi32, #tpu.memory_space<vmem>> -> memref<1x128xi32, #tpu.memory_space<vmem>>
    %dma_wait3A_603 = tpu.memref_squeeze %dma_wait3A_602 : memref<1x128xi32, #tpu.memory_space<vmem>> -> memref<128xi32, #tpu.memory_space<vmem>>
    %dma_wait3A_604 = arith.constant 0 : i32
    %dma_wait3A_605 = arith.constant 0 : i32
    %dma_wait3A_606 = tpu.memref_slice %arg4[%dma_wait3A_604, %dma_wait3A_605] : memref<131072x384xf32, #tpu.memory_space<hbm>> -> memref<131072x384xf32, #tpu.memory_space<hbm>>
    tpu.wait_indirect_dma semaphore(%arg12 : memref<!tpu.dma_semaphore, #tpu.memory_space<semaphore_mem>>) src(%dma_wait3A_600 : memref<128x384xf32, #tpu.memory_space<vmem>>) dst(%dma_wait3A_606 : memref<131072x384xf32, #tpu.memory_space<hbm>>)
    %add3A_607 = arith.constant 1 : i32
    %add3A_608 = arith.addi %mul3A_2, %add3A_607 : i32
    %dma_start3A_609 = arith.constant 1 : i32
    %dma_start3A_610 = arith.constant 0 : i32
    %dma_start3A_611 = arith.constant 0 : i32
    %dma_start3A_612 = tpu.memref_slice %arg8[%dma_start3A_609, %dma_start3A_610, %dma_start3A_611] : memref<2x128x384xf32, #tpu.memory_space<vmem>> -> memref<1x128x384xf32, #tpu.memory_space<vmem>>
    %dma_start3A_613 = tpu.memref_squeeze %dma_start3A_612 : memref<1x128x384xf32, #tpu.memory_space<vmem>> -> memref<128x384xf32, #tpu.memory_space<vmem>>
    %dma_start3A_614 = arith.constant 128 : i32
    %dma_start3A_615 = arith.constant 0 : i32
    %dma_start3A_616 = tpu.memref_slice %arg2[%add3A_608, %dma_start3A_614, %dma_start3A_615] : memref<64x256x384xf32, #tpu.memory_space<hbm>> -> memref<1x128x384xf32, #tpu.memory_space<hbm>>
    %dma_start3A_617 = tpu.memref_squeeze %dma_start3A_616 : memref<1x128x384xf32, #tpu.memory_space<hbm>> -> memref<128x384xf32, #tpu.memory_space<hbm>>
    %dma_start3A_618 = arith.constant 0 : i32
    %dma_start3A_619 = arith.constant 0 : i32
    %dma_start3A_620 = tpu.memref_slice %arg8[%dma_start3A_609, %dma_start3A_618, %dma_start3A_619] : memref<2x128x384xf32, #tpu.memory_space<vmem>> -> memref<1x128x384xf32, #tpu.memory_space<vmem>>
    %dma_start3A_621 = tpu.memref_squeeze %dma_start3A_620 : memref<1x128x384xf32, #tpu.memory_space<vmem>> -> memref<128x384xf32, #tpu.memory_space<vmem>>
    %dma_start3A_622 = arith.constant 128 : i32
    %dma_start3A_623 = arith.constant 0 : i32
    %dma_start3A_624 = tpu.memref_slice %arg2[%add3A_608, %dma_start3A_622, %dma_start3A_623] : memref<64x256x384xf32, #tpu.memory_space<hbm>> -> memref<1x128x384xf32, #tpu.memory_space<hbm>>
    %dma_start3A_625 = tpu.memref_squeeze %dma_start3A_624 : memref<1x128x384xf32, #tpu.memory_space<hbm>> -> memref<128x384xf32, #tpu.memory_space<hbm>>
    tpu.enqueue_dma source(%dma_start3A_625 : memref<128x384xf32, #tpu.memory_space<hbm>>) target(%dma_start3A_621 : memref<128x384xf32, #tpu.memory_space<vmem>>) target_semaphore(%arg10 : memref<!tpu.dma_semaphore, #tpu.memory_space<semaphore_mem>>)
    %dma_wait3A_626 = arith.constant 1 : i32
    %dma_wait3A_627 = arith.constant 0 : i32
    %dma_wait3A_628 = arith.constant 0 : i32
    %dma_wait3A_629 = tpu.memref_slice %arg8[%dma_wait3A_626, %dma_wait3A_627, %dma_wait3A_628] : memref<2x128x384xf32, #tpu.memory_space<vmem>> -> memref<1x128x384xf32, #tpu.memory_space<vmem>>
    %dma_wait3A_630 = tpu.memref_squeeze %dma_wait3A_629 : memref<1x128x384xf32, #tpu.memory_space<vmem>> -> memref<128x384xf32, #tpu.memory_space<vmem>>
    %dma_wait3A_631 = arith.constant 128 : i32
    %dma_wait3A_632 = arith.constant 0 : i32
    %dma_wait3A_633 = tpu.memref_slice %arg2[%add3A_608, %dma_wait3A_631, %dma_wait3A_632] : memref<64x256x384xf32, #tpu.memory_space<hbm>> -> memref<1x128x384xf32, #tpu.memory_space<hbm>>
    %dma_wait3A_634 = tpu.memref_squeeze %dma_wait3A_633 : memref<1x128x384xf32, #tpu.memory_space<hbm>> -> memref<128x384xf32, #tpu.memory_space<hbm>>
    %dma_wait3A_635 = arith.constant 0 : i32
    %dma_wait3A_636 = arith.constant 0 : i32
    %dma_wait3A_637 = tpu.memref_slice %arg8[%dma_wait3A_626, %dma_wait3A_635, %dma_wait3A_636] : memref<2x128x384xf32, #tpu.memory_space<vmem>> -> memref<1x128x384xf32, #tpu.memory_space<vmem>>
    %dma_wait3A_638 = tpu.memref_squeeze %dma_wait3A_637 : memref<1x128x384xf32, #tpu.memory_space<vmem>> -> memref<128x384xf32, #tpu.memory_space<vmem>>
    %dma_wait3A_639 = arith.constant 128 : i32
    %dma_wait3A_640 = arith.constant 0 : i32
    %dma_wait3A_641 = tpu.memref_slice %arg2[%add3A_608, %dma_wait3A_639, %dma_wait3A_640] : memref<64x256x384xf32, #tpu.memory_space<hbm>> -> memref<1x128x384xf32, #tpu.memory_space<hbm>>
    %dma_wait3A_642 = tpu.memref_squeeze %dma_wait3A_641 : memref<1x128x384xf32, #tpu.memory_space<hbm>> -> memref<128x384xf32, #tpu.memory_space<hbm>>
    tpu.wait_dma2 semaphore(%arg10 : memref<!tpu.dma_semaphore, #tpu.memory_space<semaphore_mem>>) src(%dma_wait3A_642 : memref<128x384xf32, #tpu.memory_space<hbm>>) dst(%dma_wait3A_638 : memref<128x384xf32, #tpu.memory_space<vmem>>)
    %dma_start3A_643 = arith.constant 1 : i32
    %dma_start3A_644 = arith.constant 3 : i32
    %dma_start3A_645 = arith.constant 0 : i32
    %dma_start3A_646 = arith.constant 0 : i32
    %dma_start3A_647 = tpu.memref_slice %arg8[%dma_start3A_643, %dma_start3A_645, %dma_start3A_646] : memref<2x128x384xf32, #tpu.memory_space<vmem>> -> memref<1x128x384xf32, #tpu.memory_space<vmem>>
    %dma_start3A_648 = tpu.memref_squeeze %dma_start3A_647 : memref<1x128x384xf32, #tpu.memory_space<vmem>> -> memref<128x384xf32, #tpu.memory_space<vmem>>
    %dma_start3A_649 = arith.constant 0 : i32
    %dma_start3A_650 = tpu.memref_slice %arg7[%dma_start3A_644, %dma_start3A_649] : memref<4x128xi32, #tpu.memory_space<vmem>> -> memref<1x128xi32, #tpu.memory_space<vmem>>
    %dma_start3A_651 = tpu.memref_squeeze %dma_start3A_650 : memref<1x128xi32, #tpu.memory_space<vmem>> -> memref<128xi32, #tpu.memory_space<vmem>>
    %dma_start3A_652 = arith.constant 0 : i32
    %dma_start3A_653 = arith.constant 0 : i32
    %dma_start3A_654 = tpu.memref_slice %arg4[%dma_start3A_652, %dma_start3A_653] : memref<131072x384xf32, #tpu.memory_space<hbm>> -> memref<131072x384xf32, #tpu.memory_space<hbm>>
    tpu.enqueue_indirect_dma source(%dma_start3A_648 : memref<128x384xf32, #tpu.memory_space<vmem>>) target(%dma_start3A_654 : memref<131072x384xf32, #tpu.memory_space<hbm>>) offsets(%dma_start3A_651 : memref<128xi32, #tpu.memory_space<vmem>>) semaphore(%arg12 : memref<!tpu.dma_semaphore, #tpu.memory_space<semaphore_mem>>)
    %dma_wait3A_655 = arith.constant 1 : i32
    %dma_wait3A_656 = arith.constant 3 : i32
    %dma_wait3A_657 = arith.constant 0 : i32
    %dma_wait3A_658 = arith.constant 0 : i32
    %dma_wait3A_659 = tpu.memref_slice %arg8[%dma_wait3A_655, %dma_wait3A_657, %dma_wait3A_658] : memref<2x128x384xf32, #tpu.memory_space<vmem>> -> memref<1x128x384xf32, #tpu.memory_space<vmem>>
    %dma_wait3A_660 = tpu.memref_squeeze %dma_wait3A_659 : memref<1x128x384xf32, #tpu.memory_space<vmem>> -> memref<128x384xf32, #tpu.memory_space<vmem>>
    %dma_wait3A_661 = arith.constant 0 : i32
    %dma_wait3A_662 = tpu.memref_slice %arg7[%dma_wait3A_656, %dma_wait3A_661] : memref<4x128xi32, #tpu.memory_space<vmem>> -> memref<1x128xi32, #tpu.memory_space<vmem>>
    %dma_wait3A_663 = tpu.memref_squeeze %dma_wait3A_662 : memref<1x128xi32, #tpu.memory_space<vmem>> -> memref<128xi32, #tpu.memory_space<vmem>>
    %dma_wait3A_664 = arith.constant 0 : i32
    %dma_wait3A_665 = arith.constant 0 : i32
    %dma_wait3A_666 = tpu.memref_slice %arg4[%dma_wait3A_664, %dma_wait3A_665] : memref<131072x384xf32, #tpu.memory_space<hbm>> -> memref<131072x384xf32, #tpu.memory_space<hbm>>
    tpu.wait_indirect_dma semaphore(%arg12 : memref<!tpu.dma_semaphore, #tpu.memory_space<semaphore_mem>>) src(%dma_wait3A_660 : memref<128x384xf32, #tpu.memory_space<vmem>>) dst(%dma_wait3A_666 : memref<131072x384xf32, #tpu.memory_space<hbm>>)
    return
  }
}

module attributes {stable_mosaic.version = 14 : i64} {
  func.func @_tc_body(%arg0: i32, %arg1: memref<1x256x768xf32, #tpu.memory_space<vmem>>, %arg2: memref<1x1x256xi32, #tpu.memory_space<vmem>>, %arg3: memref<768x384xf32, #tpu.memory_space<vmem>>, %arg4: memref<1x384xf32, #tpu.memory_space<vmem>>, %arg5: memref<1x384xf32, #tpu.memory_space<vmem>>, %arg6: memref<1x384xf32, #tpu.memory_space<vmem>>, %arg7: memref<1024x384xf32, #tpu.memory_space<vmem>>, %arg8: memref<1024x384xf32, #tpu.memory_space<vmem>>, %arg9: memref<2048x384xf32, #tpu.memory_space<vmem>>, %arg10: memref<1x256x384xf32, #tpu.memory_space<vmem>>, %arg11: memref<131072x384xf32, #tpu.memory_space<any>>, %arg12: memref<2048x384xf32, #tpu.memory_space<vmem>>, %arg13: memref<!tpu.dma_semaphore, #tpu.memory_space<semaphore_mem>>) attributes {dimension_semantics = [#tpu.dimension_semantics<arbitrary>], iteration_bounds = array<i64: 64>, scalar_prefetch = 0 : i64, scratch_operands = 2 : i64, tpu.core_type = #tpu.core_type<tc>, window_params = [{transform_indices = @transform_0, window_bounds = array<i64: 1, 256, 768>}, {transform_indices = @transform_1, window_bounds = array<i64: 1, 1, 256>}, {pipeline_mode = #tpu.pipeline_mode<synchronous>, transform_indices = @transform_2, window_bounds = array<i64: 768, 384>}, {pipeline_mode = #tpu.pipeline_mode<synchronous>, transform_indices = @transform_3, window_bounds = array<i64: 1, 384>}, {pipeline_mode = #tpu.pipeline_mode<synchronous>, transform_indices = @transform_4, window_bounds = array<i64: 1, 384>}, {pipeline_mode = #tpu.pipeline_mode<synchronous>, transform_indices = @transform_5, window_bounds = array<i64: 1, 384>}, {pipeline_mode = #tpu.pipeline_mode<synchronous>, transform_indices = @transform_6, window_bounds = array<i64: 1024, 384>}, {pipeline_mode = #tpu.pipeline_mode<synchronous>, transform_indices = @transform_7, window_bounds = array<i64: 1024, 384>}, {pipeline_mode = #tpu.pipeline_mode<synchronous>, transform_indices = @transform_8, window_bounds = array<i64: 2048, 384>}, {transform_indices = @transform_9, window_bounds = array<i64: 1, 256, 384>}, {}]} {
    %eq3A = arith.constant 0 : i32
    %eq3A_0 = arith.cmpi eq, %arg0, %eq3A : i32
    %convert_element_type3A = arith.extui %eq3A_0 : i1 to i32
    %cond3A = arith.constant 0 : i32
    %cond3A_1 = arith.cmpi ne, %convert_element_type3A, %cond3A : i32
    scf.if %cond3A_1 {
      %get3A_52 = arith.constant 0 : index
      %get3A_53 = arith.constant 0 : index
      %get3A_54 = vector.load %arg7[%get3A_52, %get3A_53] : memref<1024x384xf32, #tpu.memory_space<vmem>>, vector<1024x384xf32>
      %get3A_55 = arith.constant 0 : index
      %get3A_56 = arith.constant 0 : index
      %get3A_57 = vector.load %arg5[%get3A_55, %get3A_56] : memref<1x384xf32, #tpu.memory_space<vmem>>, vector<1x384xf32>
      %add3A_58 = vector.broadcast %get3A_57 : vector<1x384xf32> to vector<1024x384xf32>
      %add3A_59 = arith.addf %get3A_54, %add3A_58 : vector<1024x384xf32>
      %get3A_60 = arith.constant 0 : index
      %get3A_61 = arith.constant 0 : index
      %get3A_62 = vector.load %arg9[%get3A_60, %get3A_61] : memref<2048x384xf32, #tpu.memory_space<vmem>>, vector<1024x384xf32>
      %add3A_63 = arith.addf %add3A_59, %get3A_62 : vector<1024x384xf32>
      %swap3A_64 = arith.constant 0 : index
      %swap3A_65 = arith.constant 0 : index
      %swap3A_66 = vector.load %arg12[%swap3A_64, %swap3A_65] : memref<2048x384xf32, #tpu.memory_space<vmem>>, vector<1024x384xf32>
      tpu.vector_store %arg12[%swap3A_64, %swap3A_65], %add3A_63 {strides = array<i32>} : memref<2048x384xf32, #tpu.memory_space<vmem>>, vector<1024x384xf32>,
      %get3A_67 = arith.constant 0 : index
      %get3A_68 = arith.constant 0 : index
      %get3A_69 = vector.load %arg8[%get3A_67, %get3A_68] : memref<1024x384xf32, #tpu.memory_space<vmem>>, vector<1024x384xf32>
      %get3A_70 = arith.constant 0 : index
      %get3A_71 = arith.constant 0 : index
      %get3A_72 = vector.load %arg6[%get3A_70, %get3A_71] : memref<1x384xf32, #tpu.memory_space<vmem>>, vector<1x384xf32>
      %add3A_73 = vector.broadcast %get3A_72 : vector<1x384xf32> to vector<1024x384xf32>
      %add3A_74 = arith.addf %get3A_69, %add3A_73 : vector<1024x384xf32>
      %get3A_75 = arith.constant 1024 : index
      %get3A_76 = arith.constant 0 : index
      %get3A_77 = vector.load %arg9[%get3A_75, %get3A_76] : memref<2048x384xf32, #tpu.memory_space<vmem>>, vector<1024x384xf32>
      %add3A_78 = arith.addf %add3A_74, %get3A_77 : vector<1024x384xf32>
      %swap3A_79 = arith.constant 1024 : index
      %swap3A_80 = arith.constant 0 : index
      %swap3A_81 = vector.load %arg12[%swap3A_79, %swap3A_80] : memref<2048x384xf32, #tpu.memory_space<vmem>>, vector<1024x384xf32>
      tpu.vector_store %arg12[%swap3A_79, %swap3A_80], %add3A_78 {strides = array<i32>} : memref<2048x384xf32, #tpu.memory_space<vmem>>, vector<1024x384xf32>,
    } else {
    }
    %mul3A = arith.constant 2 : i32
    %mul3A_2 = arith.muli %arg0, %mul3A : i32
    %mul3A_3 = arith.constant 1024 : i32
    %mul3A_4 = arith.muli %mul3A_2, %mul3A_3 : i32
    %dma_start3A = arith.constant 0 : i32
    %dma_start3A_5 = tpu.memref_slice %arg11[%mul3A_4, %dma_start3A] : memref<131072x384xf32, #tpu.memory_space<any>> -> memref<2048x384xf32, #tpu.memory_space<any>>
    tpu.enqueue_dma source(%arg12 : memref<2048x384xf32, #tpu.memory_space<vmem>>) target(%dma_start3A_5 : memref<2048x384xf32, #tpu.memory_space<any>>) target_semaphore(%arg13 : memref<!tpu.dma_semaphore, #tpu.memory_space<semaphore_mem>>)
    %ge3A = arith.constant 2 : i32
    %ge3A_6 = arith.cmpi sge, %arg0, %ge3A : i32
    %convert_element_type3A_7 = arith.extui %ge3A_6 : i1 to i32
    %cond3A_8 = arith.constant 0 : i32
    %cond3A_9 = arith.cmpi ne, %convert_element_type3A_7, %cond3A_8 : i32
    scf.if %cond3A_9 {
      %dma_wait3A = arith.constant 0 : i32
      %dma_wait3A_52 = arith.constant 0 : i32
      %dma_wait3A_53 = tpu.memref_slice %arg11[%dma_wait3A, %dma_wait3A_52] : memref<131072x384xf32, #tpu.memory_space<any>> -> memref<2048x384xf32, #tpu.memory_space<any>>
      tpu.wait_dma2 semaphore(%arg13 : memref<!tpu.dma_semaphore, #tpu.memory_space<semaphore_mem>>) src(%arg12 : memref<2048x384xf32, #tpu.memory_space<vmem>>) dst(%dma_wait3A_53 : memref<2048x384xf32, #tpu.memory_space<any>>)
    } else {
    }
    %eq3A_10 = arith.constant 63 : i32
    %eq3A_11 = arith.cmpi eq, %arg0, %eq3A_10 : i32
    %convert_element_type3A_12 = arith.extui %eq3A_11 : i1 to i32
    %cond3A_13 = arith.constant 0 : i32
    %cond3A_14 = arith.cmpi ne, %convert_element_type3A_12, %cond3A_13 : i32
    scf.if %cond3A_14 {
      %dma_wait3A = arith.constant 0 : i32
      %dma_wait3A_52 = arith.constant 0 : i32
      %dma_wait3A_53 = tpu.memref_slice %arg11[%dma_wait3A, %dma_wait3A_52] : memref<131072x384xf32, #tpu.memory_space<any>> -> memref<2048x384xf32, #tpu.memory_space<any>>
      tpu.wait_dma2 semaphore(%arg13 : memref<!tpu.dma_semaphore, #tpu.memory_space<semaphore_mem>>) src(%arg12 : memref<2048x384xf32, #tpu.memory_space<vmem>>) dst(%dma_wait3A_53 : memref<2048x384xf32, #tpu.memory_space<any>>)
      %dma_wait3A_54 = arith.constant 0 : i32
      %dma_wait3A_55 = arith.constant 0 : i32
      %dma_wait3A_56 = tpu.memref_slice %arg11[%dma_wait3A_54, %dma_wait3A_55] : memref<131072x384xf32, #tpu.memory_space<any>> -> memref<2048x384xf32, #tpu.memory_space<any>>
      tpu.wait_dma2 semaphore(%arg13 : memref<!tpu.dma_semaphore, #tpu.memory_space<semaphore_mem>>) src(%arg12 : memref<2048x384xf32, #tpu.memory_space<vmem>>) dst(%dma_wait3A_56 : memref<2048x384xf32, #tpu.memory_space<any>>)
    } else {
    }
    %get3A = arith.constant 0 : index
    %get3A_15 = arith.constant 0 : index
    %get3A_16 = arith.constant 0 : index
    %get3A_17 = vector.load %arg2[%get3A, %get3A_15, %get3A_16] : memref<1x1x256xi32, #tpu.memory_space<vmem>>, vector<1x1x256xi32>
    %get3A_18 = vector.shape_cast %get3A_17 : vector<1x1x256xi32> to vector<256xi32>
    %broadcast_in_dim3A = vector.shape_cast %get3A_18 : vector<256xi32> to vector<256x1xi32>
    %iota3A = tpu.iota {dimensions = array<i32: 1>} : vector<256x1024xi32>
    %eq3A_19 = vector.broadcast %broadcast_in_dim3A : vector<256x1xi32> to vector<256x1024xi32>
    %eq3A_20 = arith.cmpi eq, %eq3A_19, %iota3A : vector<256x1024xi32>
    %convert_element_type3A_21 = arith.extui %eq3A_20 : vector<256x1024xi1> to vector<256x1024xi32>
    %convert_element_type3A_22 = arith.sitofp %convert_element_type3A_21 : vector<256x1024xi32> to vector<256x1024xf32>
    %get3A_23 = arith.constant 0 : index
    %get3A_24 = arith.constant 0 : index
    %get3A_25 = vector.load %arg9[%get3A_23, %get3A_24] : memref<2048x384xf32, #tpu.memory_space<vmem>>, vector<1024x384xf32>
    %dot_general3A = arith.constant dense<0.000000e+00> : vector<256x384xf32>
    %dot_general3A_26 = tpu.matmul %convert_element_type3A_22, %get3A_25, %dot_general3A {dimension_numbers = #tpu.dot_dimension_numbers<[1], [0], [0], [1], [0, 0, 1, 1], [], []>, transpose_lhs_hint = false} : vector<256x1024xf32>, vector<1024x384xf32>, vector<256x384xf32> -> vector<256x384xf32>
    %get3A_27 = arith.constant 0 : index
    %get3A_28 = arith.constant 0 : index
    %get3A_29 = arith.constant 0 : index
    %get3A_30 = vector.load %arg1[%get3A_27, %get3A_28, %get3A_29] : memref<1x256x768xf32, #tpu.memory_space<vmem>>, vector<1x256x768xf32>
    %get3A_31 = vector.shape_cast %get3A_30 : vector<1x256x768xf32> to vector<256x768xf32>
    %get3A_32 = arith.constant 0 : index
    %get3A_33 = arith.constant 0 : index
    %get3A_34 = vector.load %arg3[%get3A_32, %get3A_33] : memref<768x384xf32, #tpu.memory_space<vmem>>, vector<768x384xf32>
    %dot_general3A_35 = arith.constant dense<0.000000e+00> : vector<256x384xf32>
    %dot_general3A_36 = tpu.matmul %get3A_31, %get3A_34, %dot_general3A_35 {dimension_numbers = #tpu.dot_dimension_numbers<[1], [0], [0], [1], [0, 0, 1, 1], [], []>, transpose_lhs_hint = false} : vector<256x768xf32>, vector<768x384xf32>, vector<256x384xf32> -> vector<256x384xf32>
    %get3A_37 = arith.constant 0 : index
    %get3A_38 = arith.constant 0 : index
    %get3A_39 = vector.load %arg4[%get3A_37, %get3A_38] : memref<1x384xf32, #tpu.memory_space<vmem>>, vector<1x384xf32>
    %add3A = vector.broadcast %get3A_39 : vector<1x384xf32> to vector<256x384xf32>
    %add3A_40 = arith.addf %dot_general3A_36, %add3A : vector<256x384xf32>
    %get3A_41 = arith.constant 0 : index
    %get3A_42 = arith.constant 0 : index
    %get3A_43 = vector.load %arg5[%get3A_41, %get3A_42] : memref<1x384xf32, #tpu.memory_space<vmem>>, vector<1x384xf32>
    %add3A_44 = vector.broadcast %get3A_43 : vector<1x384xf32> to vector<256x384xf32>
    %add3A_45 = arith.addf %add3A_40, %add3A_44 : vector<256x384xf32>
    %add3A_46 = arith.addf %add3A_45, %dot_general3A_26 : vector<256x384xf32>
    %swap3A = arith.constant 0 : index
    %swap3A_47 = arith.constant 0 : index
    %swap3A_48 = arith.constant 0 : index
    %swap3A_49 = vector.load %arg10[%swap3A, %swap3A_47, %swap3A_48] : memref<1x256x384xf32, #tpu.memory_space<vmem>>, vector<1x256x384xf32>
    %swap3A_50 = vector.shape_cast %swap3A_49 : vector<1x256x384xf32> to vector<256x384xf32>
    %swap3A_51 = vector.shape_cast %add3A_46 : vector<256x384xf32> to vector<1x256x384xf32>
    tpu.vector_store %arg10[%swap3A, %swap3A_47, %swap3A_48], %swap3A_51 {strides = array<i32>} : memref<1x256x384xf32, #tpu.memory_space<vmem>>, vector<1x256x384xf32>,
    return
  }
  func.func @transform_0(%arg0: i32) -> (i32, i32, i32) {
    %c0_i32 = arith.constant 0 : i32
    %c0_i32_0 = arith.constant 0 : i32
    %c0_i32_1 = arith.constant 0 : i32
    return %arg0, %c0_i32, %c0_i32_0 : i32, i32, i32
  }
  func.func @transform_1(%arg0: i32) -> (i32, i32, i32) {
    %c0_i32 = arith.constant 0 : i32
    %c0_i32_0 = arith.constant 0 : i32
    %c0_i32_1 = arith.constant 0 : i32
    return %arg0, %c0_i32, %c0_i32_0 : i32, i32, i32
  }
  func.func @transform_2(%arg0: i32) -> (i32, i32) {
    %c0_i32 = arith.constant 0 : i32
    %c0_i32_0 = arith.constant 0 : i32
    %c0_i32_1 = arith.constant 0 : i32
    return %c0_i32, %c0_i32_0 : i32, i32
  }
  func.func @transform_3(%arg0: i32) -> (i32, i32) {
    %c0_i32 = arith.constant 0 : i32
    %c0_i32_0 = arith.constant 0 : i32
    %c0_i32_1 = arith.constant 0 : i32
    return %c0_i32, %c0_i32_0 : i32, i32
  }
  func.func @transform_4(%arg0: i32) -> (i32, i32) {
    %c0_i32 = arith.constant 0 : i32
    %c0_i32_0 = arith.constant 0 : i32
    %c0_i32_1 = arith.constant 0 : i32
    return %c0_i32, %c0_i32_0 : i32, i32
  }
  func.func @transform_5(%arg0: i32) -> (i32, i32) {
    %c0_i32 = arith.constant 0 : i32
    %c0_i32_0 = arith.constant 0 : i32
    %c0_i32_1 = arith.constant 0 : i32
    return %c0_i32, %c0_i32_0 : i32, i32
  }
  func.func @transform_6(%arg0: i32) -> (i32, i32) {
    %c0_i32 = arith.constant 0 : i32
    %c0_i32_0 = arith.constant 0 : i32
    %c0_i32_1 = arith.constant 0 : i32
    return %c0_i32, %c0_i32_0 : i32, i32
  }
  func.func @transform_7(%arg0: i32) -> (i32, i32) {
    %c0_i32 = arith.constant 0 : i32
    %c0_i32_0 = arith.constant 0 : i32
    %c0_i32_1 = arith.constant 0 : i32
    return %c0_i32, %c0_i32_0 : i32, i32
  }
  func.func @transform_8(%arg0: i32) -> (i32, i32) {
    %c0_i32 = arith.constant 0 : i32
    %c0_i32_0 = arith.constant 0 : i32
    %c0_i32_1 = arith.constant 0 : i32
    return %c0_i32, %c0_i32_0 : i32, i32
  }
  func.func @transform_9(%arg0: i32) -> (i32, i32, i32) {
    %c0_i32 = arith.constant 0 : i32
    %c0_i32_0 = arith.constant 0 : i32
    %c0_i32_1 = arith.constant 0 : i32
    return %arg0, %c0_i32, %c0_i32_0 : i32, i32, i32
  }
}

</mosaic_0001>

<sc_bundles>
// kernel: kernel.4.cloned.1.call-start
scs
__scs_entry_jumppad:
0x0: {  	(pc) =	sbr.rel $0x88, $3  }
0x1: {  	(tag) =	ssettag $0x0;
	lr =	simm.s32 $0x1  }
0x2: {  	[smem:$0x3F97] =	sst lr;
	_ =	strace $0xD0000000  }
0x3: {  	_ = 	snop  }
0x4: {  	_ = 	snop  }
0x5: {  	_ = 	snop  }
0x6: {  	_ = 	snop  }
0x7: {  	_ = 	snop  }
__scs_overlays_trampoline_lowered:
0x8: {  	[smem:$0x3FA6] =	sst s0  }
0x9: {  	[smem:$0x3FA7] =	sst s1  }
0xa: {  	[smem:$0x3FA8] =	sst s2  }
0xb: {  	[smem:$0x3FA9] =	sst s3  }
0xc: {  	[smem:$0x3FAA] =	sst s4  }
0xd: {  	[smem:$0x3FAB] =	sst s5  }
0xe: {  	[smem:$0x3FAC] =	sst s6  }
0xf: {  	[smem:$0x3FAD] =	sst s7  }
0x10: {  	[smem:$0x3FAE] =	sst s8  }
0x11: {  	[smem:$0x3FAF] =	sst s9;
	s0 =	simm.s32 @!p0 $0x0  }
0x12: {  	s1 =	sld [smem:$0x3F95];
	s0 =	simm.s32 @p0 $0x1  }
0x13: {  	[smem:$0x3FB0] =	sst s0;
	s0 =	simm.s32 @!p1 $0x0  }
0x14: {  	s2 =	sld [smem:$0x3F94];
	s0 =	simm.s32 @p1 $0x1  }
0x15: {  	[smem:$0x3FB1] =	sst s0;
	s0 =	simm.s32 @!p2 $0x0  }
0x16: {  	s3 =	sld [smem:$0x3FDB];
	s0 =	simm.s32 @p2 $0x1  }
0x17: {  	s4 =	simm.s32 $0x1BF5;
	[smem:$0x3FB3] =	sst s0  }
0x18: {  	s0 =	sld [smem:$0x3F96];
	_ =	swait.ge [sflag:s4], $0x0  }
0x19: {  	s7 =	sld [smem:$0x3F97]  }
0x1a: {  	s8 =	sadd.s32 $0xFFFFE003, lr  }
0x1b: {  	s9 =	sadd.s32 $0xFFFFFEF7, lr;
	s5 =	simm.s32 $0xFFFFFFFF;
	p2 =	slt.u32 s8, $0xFFFFF086  }
0x1c: {  	p1 =	slt.u32 s9, $0xF7A;
	s5 =	simm.s32 @!p2 $0x0  }
0x1d: {  	s5 =	simm.s32 @p1 $0x1;
	p0 =	seq.s32 s7, s2  }
0x1e: {  	s7 =	smul.u32 @!p0 $0xF7A, s2;
	p2 =	seq.s32 @!p0 s5, $0x0  }
0x1f: {  	s9 =	smul.u32 $0xF7A, s1;
	s8 =	simm.s32 @!p0 $0x1BF5;
	p2 =	por !p2, p0  }
0x20: {  	[sflag:s8] =	ssyncset.s32 @!p0 $0xFFFFF086;
	s6 =	sadd.s32 @!p0 s3, s7;
	s7 =	simm.s32 @!p0 $0x108  }
0x21: {  	s3 =	sadd.s32 s3, s9;
	s6 =	sadd.s32 @!p0 $0x88, s6;
	s7 =	simm.s32 @p2 $0x1082  }
0x22: {  	[simem:s7], [sflag:s8] =	dma.local @!p0 [hbm:s6], $0xF7A  }
0x23: {  	s9 =	sor.u32 $0xD0000000, s2;
	s6 =	simm.s32 $0x108;
	_ =	swait.ge @!p0 [sflag:s8], $0x0  }
0x24: {  	s3 =	sadd.s32 $0x88, s3;
	s6 =	simm.s32 @!p1 $0x1082;
	[sflag:s4] =	ssyncset.s32 $0xFFFFF086  }
0x25: {  	[simem:s6], [sflag:s4] =	dma.local [hbm:s3], $0xF7A  }
0x26: {  	[smem:$0x3F97] =	sst s1;
	(tag) =	ssettag s2;
	_ =	strace s9  }
0x27: {  	s1 =	sld [smem:$0x3FA7]  }
0x28: {  	s2 =	sld [smem:$0x3FA8]  }
0x29: {  	s4 =	sld [smem:$0x3FAA]  }
0x2a: {  	p0 =	seq.s32 s5, $0x0;
	s5 =	sld [smem:$0x3FAB]  }
0x2b: {  	s6 =	sld [smem:$0x3FAC]  }
0x2c: {  	s7 =	sld [smem:$0x3FAD]  }
0x2d: {  	s3 =	simm.s32 $0x108;
	s8 =	sld [smem:$0x3FAE]  }
0x2e: {  	s3 =	simm.s32 @!p0 $0x1082;
	s9 =	sld [smem:$0x3FAF]  }
0x2f: {  	lr =	sadd.s32 s0, s3;
	s0 =	sld [smem:$0x3FA6]  }
0x30: {  	s3 =	sld [smem:$0x3FA9]  }
0x31: {  	[smem:$0x3FB2] =	sst s10  }
0x32: {  	s10 =	sld [smem:$0x3FB0];
	_ =	sdelay $0x3  }
0x33: {  	p0 =	seq.s32 s10, $0x1;
	s10 =	sld [smem:$0x3FB2];
	_ =	sdelay $0x3  }
0x34: {  	[smem:$0x3FB2] =	sst s10  }
0x35: {  	s10 =	sld [smem:$0x3FB1];
	_ =	sdelay $0x3  }
0x36: {  	p1 =	seq.s32 s10, $0x1;
	s10 =	sld [smem:$0x3FB2];
	_ =	sdelay $0x3  }
0x37: {  	[smem:$0x3FB2] =	sst s10  }
0x38: {  	s10 =	sld [smem:$0x3FB3]  }
0x39: {  	_ = 	snop;
	(pc) =	sbr.ind lr, $3  }
0x3a: {  	_ = 	snop  }
0x3b: {  	_ = 	snop  }
0x3c: {  	p2 =	seq.s32 s10, $0x1;
	s10 =	sld [smem:$0x3FB2]  }
0x3d: {  	_ =	shalt  }
0x3e: {  	_ =	shalt  }
0x3f: {  	_ =	shalt  }
0x40: {  	_ =	shalt  }
0x41: {  	_ =	shalt  }
0x42: {  	_ =	shalt  }
0x43: {  	_ =	shalt  }
0x44: {  	_ =	shalt  }
0x45: {  	_ =	shalt  }
0x46: {  	_ =	shalt  }
0x47: {  	_ =	shalt  }
0x48: {  	_ =	shalt  }
0x49: {  	_ =	shalt  }
0x4a: {  	_ =	shalt  }
0x4b: {  	_ =	shalt  }
0x4c: {  	_ =	shalt  }
0x4d: {  	_ =	shalt  }
0x4e: {  	_ =	shalt  }
0x4f: {  	_ =	shalt  }
0x50: {  	_ =	shalt  }
0x51: {  	_ =	shalt  }
0x52: {  	_ =	shalt  }
0x53: {  	_ =	shalt  }
0x54: {  	_ =	shalt  }
0x55: {  	_ =	shalt  }
0x56: {  	_ =	shalt  }
0x57: {  	_ =	shalt  }
0x58: {  	_ =	shalt  }
0x59: {  	_ =	shalt  }
0x5a: {  	_ =	shalt  }
0x5b: {  	_ =	shalt  }
0x5c: {  	_ =	shalt  }
0x5d: {  	_ =	shalt  }
0x5e: {  	_ =	shalt  }
0x5f: {  	_ =	shalt  }
0x60: {  	_ =	shalt  }
0x61: {  	_ =	shalt  }
0x62: {  	_ =	shalt  }
0x63: {  	_ =	shalt  }
0x64: {  	_ =	shalt  }
0x65: {  	_ =	shalt  }
0x66: {  	_ =	shalt  }
0x67: {  	_ =	shalt  }
0x68: {  	_ =	shalt  }
0x69: {  	_ =	shalt  }
0x6a: {  	_ =	shalt  }
0x6b: {  	_ =	shalt  }
0x6c: {  	_ =	shalt  }
0x6d: {  	_ =	shalt  }
0x6e: {  	_ =	shalt  }
0x6f: {  	_ =	shalt  }
0x70: {  	_ =	shalt  }
0x71: {  	_ =	shalt  }
0x72: {  	_ =	shalt  }
0x73: {  	_ =	shalt  }
0x74: {  	_ =	shalt  }
0x75: {  	_ =	shalt  }
0x76: {  	_ =	shalt  }
0x77: {  	_ =	shalt  }
0x78: {  	_ =	shalt  }
0x79: {  	_ =	shalt  }
0x7a: {  	_ =	shalt  }
0x7b: {  	_ =	shalt  }
0x7c: {  	_ =	shalt  }
0x7d: {  	_ =	shalt  }
0x7e: {  	_ =	shalt  }
0x7f: {  	_ =	shalt  }
0x80: {  	_ =	shalt  }
0x81: {  	_ =	shalt  }
0x82: {  	_ =	shalt  }
0x83: {  	_ =	shalt  }
0x84: {  	_ =	shalt  }
0x85: {  	_ =	shalt  }
0x86: {  	_ =	shalt  }
0x87: {  	_ =	shalt  }
.Lfunc_end0:
.L_simem_size_0:
called_computation_lowered:
.L_overlay_start_0:
0x88: {  	s2 =	sld [smem:$0x3FD9]  }
0x89: {  	s3 =	sld [smem:$0x3FFE];
	_ =	sdelay $0x1  }
0x8a: {  	s1 =	srdreg.scid  }
0x8b: {  	s0 =	sand.u32 $0x1, s1  }
0x8c: {  	s17 =	sshll.u32 s0, $0xA;
	s2 =	sadd.s32 s3, s2  }
0x8d: {  	s2 =	sadd.s32 s2, s17  }
0x8e: {  	[smem:$0x3FBE] =	sst s2  }
0x8f: {  	_ = 	snop  }
0x90: {  	s2 =	sld [smem:$0x3FC8]  }
0x91: {  	s18 =	sld [smem:$0x3FD0];
	(tm) =	ssettm $0x1  }
0x92: {  	s4 =	sld [smem:$0x3FFB];
	_ =	sdelay $0x3  }
0x93: {  	_ =	strace s4  }
0x94: {  	s4 =	sld [smem:$0x3FFC];
	_ =	sdelay $0x3  }
0x95: {  	_ =	strace s4  }
0x96: {  	s4 =	sld [smem:$0x3FFD];
	_ =	sdelay $0x3  }
0x97: {  	_ =	strace s4  }
0x98: {  	_ =	strace $0x8FFFFFFF  }
0x99: {  	s19 =	sld [smem:$0x3FDB];
	_ =	sdelay $0x1  }
0x9a: {  	s5 =	simm.s32 $_scs_section_size  }
0x9b: {  	s6 =	simm.s32 $_size__tile_overlayer_lowered;
	s7 =	simm.s32 $_tile_overlayer_lowered  }
0x9c: {  	s22 =	simm.s32 $0x1BFF;
	s21 =	sshll.u32 s7, $0x1;
	s4 =	sadd.s32 s5, s19  }
0x9d: {  	s8 =	simm.s32 $0x0;
	s20 =	sshll.u32 s6, $0x1;
	s6 =	sadd.s32 s21, s4  }
0x9e: {  	[timem:s8], [sflag:s22] =	dma.local [hbm:s6], s20  }
0x9f: {  	_ =	swait.ge [sflag:s22], s20  }
0xa0: {  	s5 =	ssub.s32 $0x0, s20;
	[sflag:s22] =	ssyncset.done $0x0  }
0xa1: {  	[sflag:s22] =	ssyncadd.s32 s5;
	_ =	sdelay $0x1  }
0xa2: {  	s23 =	simm.s32 $0x1B8B  }
0xa3: {  	_ =	swait.ge [sflag:s23], $0x1  }
0xa4: {  	[sflag:s23] =	ssyncset.done $0x0  }
0xa5: {  	s25 =	simm.s32 $0x1B8E;
	s24 =	sld [smem:$0x3FFE];
	[sflag:s23] =	ssyncadd.s32 $0xFFFFFFFF  }
0xa6: {  	s26 =	simm.s32 $execute0_lowered;
	[smem:$0x3FD2] =	sst s25  }
0xa7: {  	s6 =	sshll.u32 s26, $0x1;
	_ =	strace $0x80000046;
	[dreg:$0x1] =	wrdreg $0xFFFFFFFF  }
0xa8: {  	s28 =	simm.s32 $_size_execute0_lowered;
	s4 =	sadd.s32 s4, s6;
	[dreg:$0x0] =	wrdreg $0x0  }
0xa9: {  	s6 =	sshll.u32 s28, $0x1;
	[dreg:$0x2] =	wrdreg s4  }
0xaa: {  	[dreg:$0x3] =	wrdreg s6  }
0xab: {  	[dreg:$0x4] =	wrdreg $0xC0  }
0xac: {  	_ =	task [dreg:s8], $0x5FFFF  }
0xad: {  	[dreg:$0x1] =	wrdreg $0xFFFFFFFF  }
0xae: {  	[dreg:$0x0] =	wrdreg $0x60  }
0xaf: {  	[dreg:$0x2] =	wrdreg s24  }
0xb0: {  	[dreg:$0x3] =	wrdreg s2  }
0xb1: {  	[dreg:$0x4] =	wrdreg s18  }
0xb2: {  	[dreg:$0x5] =	wrdreg $0x9  }
0xb3: {  	_ =	task.clear_ibuf [dreg:s8], $0x6FFFF;
	_ =	strace $0x90000046  }
0xb4: {  	s29 =	simm.s32 $0x9;
	_ =	strace $0x80000048  }
0xb5: {  	_ =	swait.ge [sflag:s29], $0x1  }
0xb6: {  	[sflag:s29] =	ssyncadd.s32 $0xFFFFFFFF  }
0xb7: {  	_ =	strace $0x90000048  }
0xb8: {  	_ =	sfence  }
0xb9: {  	s30 =	sld [smem:$0x0];
	_ =	sdelay $0x2  }
0xba: {  	s31 =	sshll.u32 s1, $0xD;
	s1 =	sshrl.u32 s1, $0x2  }
0xbb: {  	s3 =	sand.u32 $0x4000, s31;
	s1 =	sadd.s32 s1, s30  }
0xbc: {  	s0 =	sor.u32 s3, s0;
	s1 =	sshll.u32 s1, $0x11  }
0xbd: {  	s0 =	sor.u32 s1, s0  }
0xbe: {  	s0 =	sadd.s32 $0x8F2B, s0  }
0xbf: {  	[sflag:s0] =	ssyncadd.remote.s32 $0x1  }
0xc0: {  	_ =	sfence.sel $0xFFFF  }
0xc1: {  	[dreg:$0x0] =	wrdreg $0xFFFFFFFF;
	(pc) =	sbr.abs _section_cstart, $3  }
0xc2: {  	[dreg:$0x1] =	wrdreg $0xFFFFFFFF  }
0xc3: {  	_ =	task.clear_ibuf [dreg:s8], $0x2FFFF;
	_ =	strace $0x9FFFFFFF  }
0xc4: {  	(tm) =	ssettm $0x7FFFFFFF  }
0xc5: {  	_ =	shalt  }
tec
execute0_lowered:
.L_overlay_start_1:
0x0: {  	(tag) =	ssettag $0x1  }
0x1: {  	s0 =	rddreg [dreg:$0x0]  }
0x2: {  	s2 =	rddreg [dreg:$0x1]  }
0x3: {  	s1 =	rddreg [dreg:$0x2];
	s3 =	simm.s32 $0x0  }
0x4: {  	s4 =	srdreg.scid;
	s8 =	stileid.u32;
	s26 =	simm.s32 $0x100  }
0x5: {  	s12 =	simm.s32 $0x1800;
	s13 =	simm.s32 $0x1C00;
	s14 =	simm.s32 $0x2400  }
0x6: {  	s15 =	simm.s32 $0x2800;
	s16 =	simm.s32 $0x3000;
	s17 =	simm.s32 $0x3400  }
0x7: {  	s18 =	simm.s32 $0x3C00;
	s28 =	simm.s32 $0x6C00;
	s29 =	simm.s32 $0x7800  }
0x8: {  	s30 =	simm.s32 $0x8400;
	s31 =	simm.s32 $0x9400;
	[smem:$0x7FF] =	sst s3  }
0x9: {  	s4 =	sand.u32 $0x1, s4;
	s6 =	sshll.u32 s8, $0x1;
	s0 =	sadd.s32 $0x1000, s0  }
0xa: {  	s19 =	sshll.u32 s8, $0x7;
	s8 =	simm.s32 $0x9000;
	_ =	strace $0x80000047  }
0xb: {  	s5 =	ssub.s32 $0x2, s4;
	s4 =	sor.u32 s4, s6;
	s6 =	sand.u32 $0x700, s19  }
0xc: {  	[dreg:$0x7] =	wrdreg s26;
	s19 =	simm.s32 $0x4000;
	s26 =	simm.s32 $0x6400  }
0xd: {  	s7 =	sshrl.u32 s5, $0x1;
	s20 =	smul.u32 $0x6000, s4;
	s9 =	sshllo.u32 s4, $0x1  }
0xe: {  	s10 =	sshll.u32 s4, $0x5;
	s2 =	sadd.s32 s2, s6;
	s4 =	sshll.u32 s4, $0xC  }
0xf: {  	s6 =	sadd.s32 $0x100, s1;
	s11 =	smul.u32 $0x18000, s9;
	s7 =	ssub.s32 s5, s7  }
0x10: {  	s21 =	sand.u32 $0x60, s10;
	s25 =	sshll.u32 s9, $0xB;
	s10 =	simm.s32 $0x400  }
0x11: {  	v0 =	vmov s4;
	s9 =	simm.s32 $0x7C00;
	s4 =	simm.s32 $0xC400;
	s2 =	sadd.s32 s21, s2  }
0x12: {  	s22 =	sadd.s32 s0, s20;
	s7 =	smax.u32 s7, $0x1;
	s21 =	simm.s32 $0x1  }
0x13: {  	v1 =	vmov s25;
	s25 =	simm.s32 $0x6000;
	s20 =	simm.s32 $0x8800;
	[dreg:$0x4] =	wrdreg s2  }
0x14: {  	s23 =	sshrl.u32 s11, $0x3;
	[dreg:$0x8] =	wrdreg s22;
	s24 =	sadd.s32 $0x1800, s22  }
0x15: {  	v4 =	vlaneseq.u32;
	s11 =	simm.s32 $0x1000;
	s0 =	sadd.s32 s0, s23;
	[dreg:$0x5] =	wrdreg s24  }
0x16: {  	vm0 =	vmmov $0xffff;
	vm1 =	vmmov $0xff;
	v3 =	vshrl.u32 v4, $0x3;
	s22 =	simm.s32 $0x4800;
	[dreg:$0x9] =	wrdreg s0;
	s0 =	sadd.s32 $0x1800, s0  }
0x17: {  	v2 =	vand.u32 $0x7, v4;
	v4 =	vor.u32 $0x8, v4;
	v3 =	vmul.u32 $0x8, v3;
	s23 =	simm.s32 $0x4C00;
	s24 =	simm.s32 $0x5800;
	[dreg:$0x6] =	wrdreg s0  }
.LBB2_1:
0x18: {  	s0 =	rddreg [dreg:$0x4]  }
0x19: {  	s2 =	rddreg [dreg:$0x7];
	s5 =	simm.s32 $0x5  }
0x1a: {  	[tilespmem:s3], [sflag:$0x5] =	stream.strided.gather [hbm4b:s0+s2], $0x200, s10, s2, $0x38;
	[tilespmem:$0x18400] =	vst v63  }
0x1b: {  	_ =	swait.ge [sflag:s5], $0x200  }
0x1c: {  	[sflag:s5] =	ssyncset.done $0x0  }
0x1d: {  	s2 =	rddreg [dreg:$0x8];
	[sflag:s5] =	ssyncadd.s32 $0xFFFFFE00  }
0x1e: {  	[tilespmem:s10], [sflag:$0x1] =	stream.linear.gather [hbm4b:s2+s3], $0xC000, $0x38;
	[tilespmem:$0x18400] =	vst v63  }
0x1f: {  	v5 =	vld [tilespmem:$0x0]  }
0x20: {  	v6 =	vld [tilespmem:$0x10]  }
0x21: {  	v7 =	vld [tilespmem:$0x20]  }
0x22: {  	v8 =	vld [tilespmem:$0x30]  }
0x23: {  	v9 =	vld [tilespmem:$0x40]  }
0x24: {  	v11 =	vld [tilespmem:$0x50];
	v10 =	vadd.s32 v0, v5  }
0x25: {  	v12 =	vld [tilespmem:$0x60];
	v6 =	vadd.s32 v0, v6;
	[tilespmem:$0x200] =	vst v10  }
0x26: {  	[tilespmem:$0x210] =	vst v6;
	v6 =	vadd.s32 v0, v7;
	v7 =	vld [tilespmem:$0x70]  }
0x27: {  	v44 =	vld [tilespmem:$0x100];
	[tilespmem:$0x220] =	vst v6;
	v6 =	vadd.s32 v0, v8  }
0x28: {  	v45 =	vld [tilespmem:$0x110];
	[tilespmem:$0x230] =	vst v6;
	v6 =	vadd.s32 v0, v9  }
0x29: {  	v46 =	vld [tilespmem:$0x120];
	[tilespmem:$0x240] =	vst v6;
	v6 =	vadd.s32 v0, v11  }
0x2a: {  	v47 =	vld [tilespmem:$0x130];
	[tilespmem:$0x250] =	vst v6;
	v6 =	vadd.s32 v0, v12  }
0x2b: {  	[tilespmem:$0x260] =	vst v6;
	v6 =	vadd.s32 v0, v7;
	v7 =	vld [tilespmem:$0x140]  }
0x2c: {  	v48 =	vld [tilespmem:$0x150];
	[tilespmem:$0x270] =	vst v6;
	v6 =	vadd.s32 v0, v44  }
0x2d: {  	v49 =	vld [tilespmem:$0x160];
	[tilespmem:$0x280] =	vst v6;
	v6 =	vadd.s32 v0, v45  }
0x2e: {  	v50 =	vld [tilespmem:$0x170];
	[tilespmem:$0x290] =	vst v6;
	v6 =	vadd.s32 v0, v46  }
0x2f: {  	v51 =	vld [tilespmem:$0x80];
	[tilespmem:$0x2A0] =	vst v6;
	v6 =	vadd.s32 v0, v47  }
0x30: {  	[tilespmem:$0x2B0] =	vst v6;
	v6 =	vadd.s32 v0, v7;
	v7 =	vld [tilespmem:$0x90]  }
0x31: {  	v52 =	vld [tilespmem:$0xA0];
	[tilespmem:$0x2C0] =	vst v6;
	v6 =	vadd.s32 v0, v48  }
0x32: {  	v53 =	vld [tilespmem:$0xB0];
	[tilespmem:$0x2D0] =	vst v6;
	v6 =	vadd.s32 v0, v49  }
0x33: {  	v54 =	vld [tilespmem:$0xC0];
	[tilespmem:$0x2E0] =	vst v6;
	v6 =	vadd.s32 v0, v50  }
0x34: {  	v55 =	vld [tilespmem:$0xD0];
	[tilespmem:$0x2F0] =	vst v6;
	v6 =	vadd.s32 v1, v51  }
0x35: {  	[tilespmem:$0x300] =	vst v6;
	v6 =	vadd.s32 v1, v7;
	v7 =	vld [tilespmem:$0xE0]  }
0x36: {  	v56 =	vld [tilespmem:$0xF0];
	[tilespmem:$0x310] =	vst v6;
	v6 =	vadd.s32 v1, v52  }
0x37: {  	v57 =	vld [tilespmem:$0x180];
	[tilespmem:$0x320] =	vst v6;
	v6 =	vadd.s32 v1, v53  }
0x38: {  	v58 =	vld [tilespmem:$0x190];
	[tilespmem:$0x330] =	vst v6;
	v6 =	vadd.s32 v1, v54  }
0x39: {  	v59 =	vld [tilespmem:$0x1A0];
	[tilespmem:$0x340] =	vst v6;
	v6 =	vadd.s32 v1, v55  }
0x3a: {  	[tilespmem:$0x350] =	vst v6;
	v6 =	vadd.s32 v1, v7;
	v7 =	vld [tilespmem:$0x1B0]  }
0x3b: {  	v60 =	vld [tilespmem:$0x1C0];
	[tilespmem:$0x360] =	vst v6;
	v6 =	vadd.s32 v1, v56  }
0x3c: {  	v61 =	vld [tilespmem:$0x1D0];
	[tilespmem:$0x370] =	vst v6;
	v6 =	vadd.s32 v1, v57  }
0x3d: {  	v62 =	vld [tilespmem:$0x1E0];
	v10 =	vshrl.u32 v10, $0x3;
	[tilespmem:$0x380] =	vst v6;
	v6 =	vadd.s32 v1, v58  }
0x3e: {  	v63 =	vld [tilespmem:$0x1F0];
	v10 =	vmul.u32 $0x18, v10;
	[tilespmem:$0x390] =	vst v6;
	v6 =	vadd.s32 v1, v59  }
0x3f: {  	v5 =	vand.u32 $0x7, v5;
	[tilespmem:$0x3A0] =	vst v6;
	v6 =	vadd.s32 v1, v7  }
0x40: {  	v5 =	vor.u32 v5, v10;
	[tilespmem:$0x3B0] =	vst v6;
	v6 =	vadd.s32 v1, v60  }
0x41: {  	v7 =	vperm.xlane v5, v2;
	[tilespmem:$0x3C0] =	vst v6;
	v6 =	vadd.s32 v1, v61  }
0x42: {  	[tilespmem:$0x3D0] =	vst v6;
	v6 =	vadd.s32 v1, v62  }
0x43: {  	v7 =	vadd.s32 v3, v7;
	[tilespmem:$0x3E0] =	vst v6;
	v6 =	vadd.s32 v1, v63  }
0x44: {  	[tilespmem:$0x3F0] =	vst v6  }
0x45: {  	v5 =	vperm.xlane v5, v4;
	_ =	swait.ge [sflag:s21], $0xC000  }
0x46: {  	[sflag:s21] =	ssyncset.done $0x0  }
0x47: {  	v5 =	vadd.s32 v3, v5;
	[sflag:s21] =	ssyncadd.s32 $0xFFFF4000  }
0x48: {  	[hbm4b:s1+s3] =	stream.indirect_vreg.scatter [tilespmem:s10], [sflag:$0x3], $0x80, v7, vm0, $0xb8;
	[tilespmem:$0x18400] =	vst v63  }
0x49: {  	s5 =	simm.s32 $0xC00  }
0x4a: {  	[hbm4b:s6+s3] =	stream.indirect_vreg.scatter [tilespmem:s5], [sflag:$0x3], $0x80, v7, vm1, $0xb8;
	[tilespmem:$0x18400] =	vst v63  }
0x4b: {  	_ = 	snop  }
0x4c: {  	[hbm4b:s1+s3] =	stream.indirect_vreg.scatter [tilespmem:s11], [sflag:$0x3], $0x80, v5, vm0, $0xb8;
	[tilespmem:$0x18400] =	vst v63  }
0x4d: {  	_ = 	snop  }
0x4e: {  	[hbm4b:s6+s3] =	stream.indirect_vreg.scatter [tilespmem:s12], [sflag:$0x3], $0x80, v5, vm1, $0xb8;
	[tilespmem:$0x18400] =	vst v63  }
0x4f: {  	v5 =	vld [tilespmem:$0x210];
	_ =	sdelay $0x4  }
0x50: {  	v6 =	vshrl.u32 v5, $0x3  }
0x51: {  	v6 =	vmul.u32 $0x18, v6  }
0x52: {  	v5 =	vand.u32 $0x7, v5  }
0x53: {  	v5 =	vor.u32 v5, v6  }
0x54: {  	v6 =	vperm.xlane v5, v2;
	_ =	sdelay $0x1  }
0x55: {  	v6 =	vadd.s32 v3, v6;
	_ =	sdelay $0x1  }
0x56: {  	v5 =	vperm.xlane v5, v4;
	_ =	sdelay $0x1  }
0x57: {  	v5 =	vadd.s32 v3, v5  }
0x58: {  	[hbm4b:s1+s3] =	stream.indirect_vreg.scatter [tilespmem:s13], [sflag:$0x3], $0x80, v6, vm0, $0xb8;
	[tilespmem:$0x18400] =	vst v63  }
0x59: {  	_ = 	snop  }
0x5a: {  	[hbm4b:s6+s3] =	stream.indirect_vreg.scatter [tilespmem:s14], [sflag:$0x3], $0x80, v6, vm1, $0xb8;
	[tilespmem:$0x18400] =	vst v63  }
0x5b: {  	_ = 	snop  }
0x5c: {  	[hbm4b:s1+s3] =	stream.indirect_vreg.scatter [tilespmem:s15], [sflag:$0x3], $0x80, v5, vm0, $0xb8;
	[tilespmem:$0x18400] =	vst v63  }
0x5d: {  	_ = 	snop  }
0x5e: {  	[hbm4b:s6+s3] =	stream.indirect_vreg.scatter [tilespmem:s16], [sflag:$0x3], $0x80, v5, vm1, $0xb8;
	[tilespmem:$0x18400] =	vst v63  }
0x5f: {  	v5 =	vld [tilespmem:$0x220];
	_ =	sdelay $0x4  }
0x60: {  	v6 =	vshrl.u32 v5, $0x3  }
0x61: {  	v6 =	vmul.u32 $0x18, v6  }
0x62: {  	v5 =	vand.u32 $0x7, v5  }
0x63: {  	v5 =	vor.u32 v5, v6  }
0x64: {  	v6 =	vperm.xlane v5, v2;
	_ =	sdelay $0x1  }
0x65: {  	v6 =	vadd.s32 v3, v6;
	_ =	sdelay $0x1  }
0x66: {  	v5 =	vperm.xlane v5, v4;
	_ =	sdelay $0x1  }
0x67: {  	v5 =	vadd.s32 v3, v5  }
0x68: {  	[hbm4b:s1+s3] =	stream.indirect_vreg.scatter [tilespmem:s17], [sflag:$0x3], $0x80, v6, vm0, $0xb8;
	[tilespmem:$0x18400] =	vst v63  }
0x69: {  	_ = 	snop  }
0x6a: {  	[hbm4b:s6+s3] =	stream.indirect_vreg.scatter [tilespmem:s18], [sflag:$0x3], $0x80, v6, vm1, $0xb8;
	[tilespmem:$0x18400] =	vst v63  }
0x6b: {  	_ = 	snop  }
0x6c: {  	[hbm4b:s1+s3] =	stream.indirect_vreg.scatter [tilespmem:s19], [sflag:$0x3], $0x80, v5, vm0, $0xb8;
	[tilespmem:$0x18400] =	vst v63  }
0x6d: {  	_ = 	snop  }
0x6e: {  	[hbm4b:s6+s3] =	stream.indirect_vreg.scatter [tilespmem:s22], [sflag:$0x3], $0x80, v5, vm1, $0xb8;
	[tilespmem:$0x18400] =	vst v63  }
0x6f: {  	v5 =	vld [tilespmem:$0x230];
	_ =	sdelay $0x4  }
0x70: {  	v6 =	vshrl.u32 v5, $0x3  }
0x71: {  	v6 =	vmul.u32 $0x18, v6  }
0x72: {  	v5 =	vand.u32 $0x7, v5  }
0x73: {  	v5 =	vor.u32 v5, v6  }
0x74: {  	v6 =	vperm.xlane v5, v2;
	_ =	sdelay $0x1  }
0x75: {  	v6 =	vadd.s32 v3, v6;
	_ =	sdelay $0x1  }
0x76: {  	v5 =	vperm.xlane v5, v4;
	_ =	sdelay $0x1  }
0x77: {  	v5 =	vadd.s32 v3, v5  }
0x78: {  	[hbm4b:s1+s3] =	stream.indirect_vreg.scatter [tilespmem:s23], [sflag:$0x3], $0x80, v6, vm0, $0xb8;
	[tilespmem:$0x18400] =	vst v63  }
0x79: {  	s2 =	simm.s32 $0x5400  }
0x7a: {  	[hbm4b:s6+s3] =	stream.indirect_vreg.scatter [tilespmem:s2], [sflag:$0x3], $0x80, v6, vm1, $0xb8;
	[tilespmem:$0x18400] =	vst v63  }
0x7b: {  	_ = 	snop  }
0x7c: {  	[hbm4b:s1+s3] =	stream.indirect_vreg.scatter [tilespmem:s24], [sflag:$0x3], $0x80, v5, vm0, $0xb8;
	[tilespmem:$0x18400] =	vst v63  }
0x7d: {  	_ = 	snop  }
0x7e: {  	[hbm4b:s6+s3] =	stream.indirect_vreg.scatter [tilespmem:s25], [sflag:$0x3], $0x80, v5, vm1, $0xb8;
	[tilespmem:$0x18400] =	vst v63  }
0x7f: {  	v5 =	vld [tilespmem:$0x240];
	_ =	sdelay $0x4  }
0x80: {  	v6 =	vshrl.u32 v5, $0x3  }
0x81: {  	v6 =	vmul.u32 $0x18, v6  }
0x82: {  	v5 =	vand.u32 $0x7, v5  }
0x83: {  	v5 =	vor.u32 v5, v6  }
0x84: {  	v6 =	vperm.xlane v5, v2;
	_ =	sdelay $0x1  }
0x85: {  	v6 =	vadd.s32 v3, v6;
	_ =	sdelay $0x1  }
0x86: {  	v5 =	vperm.xlane v5, v4;
	_ =	sdelay $0x1  }
0x87: {  	v5 =	vadd.s32 v3, v5  }
0x88: {  	[hbm4b:s1+s3] =	stream.indirect_vreg.scatter [tilespmem:s26], [sflag:$0x3], $0x80, v6, vm0, $0xb8;
	[tilespmem:$0x18400] =	vst v63  }
0x89: {  	_ = 	snop  }
0x8a: {  	[hbm4b:s6+s3] =	stream.indirect_vreg.scatter [tilespmem:s28], [sflag:$0x3], $0x80, v6, vm1, $0xb8;
	[tilespmem:$0x18400] =	vst v63  }
0x8b: {  	s5 =	simm.s32 $0x7000  }
0x8c: {  	[hbm4b:s1+s3] =	stream.indirect_vreg.scatter [tilespmem:s5], [sflag:$0x3], $0x80, v5, vm0, $0xb8;
	[tilespmem:$0x18400] =	vst v63  }
0x8d: {  	_ = 	snop  }
0x8e: {  	[hbm4b:s6+s3] =	stream.indirect_vreg.scatter [tilespmem:s29], [sflag:$0x3], $0x80, v5, vm1, $0xb8;
	[tilespmem:$0x18400] =	vst v63  }
0x8f: {  	v5 =	vld [tilespmem:$0x250];
	_ =	sdelay $0x4  }
0x90: {  	v6 =	vshrl.u32 v5, $0x3  }
0x91: {  	v6 =	vmul.u32 $0x18, v6  }
0x92: {  	v5 =	vand.u32 $0x7, v5  }
0x93: {  	v5 =	vor.u32 v5, v6  }
0x94: {  	v6 =	vperm.xlane v5, v2;
	_ =	sdelay $0x1  }
0x95: {  	v6 =	vadd.s32 v3, v6;
	_ =	sdelay $0x1  }
0x96: {  	v5 =	vperm.xlane v5, v4;
	_ =	sdelay $0x1  }
0x97: {  	v5 =	vadd.s32 v3, v5  }
0x98: {  	[hbm4b:s1+s3] =	stream.indirect_vreg.scatter [tilespmem:s9], [sflag:$0x3], $0x80, v6, vm0, $0xb8;
	[tilespmem:$0x18400] =	vst v63  }
0x99: {  	_ = 	snop  }
0x9a: {  	[hbm4b:s6+s3] =	stream.indirect_vreg.scatter [tilespmem:s30], [sflag:$0x3], $0x80, v6, vm1, $0xb8;
	[tilespmem:$0x18400] =	vst v63  }
0x9b: {  	_ = 	snop  }
0x9c: {  	[hbm4b:s1+s3] =	stream.indirect_vreg.scatter [tilespmem:s20], [sflag:$0x3], $0x80, v5, vm0, $0xb8;
	[tilespmem:$0x18400] =	vst v63  }
0x9d: {  	_ = 	snop  }
0x9e: {  	[hbm4b:s6+s3] =	stream.indirect_vreg.scatter [tilespmem:s8], [sflag:$0x3], $0x80, v5, vm1, $0xb8;
	[tilespmem:$0x18400] =	vst v63  }
0x9f: {  	v5 =	vld [tilespmem:$0x260];
	_ =	sdelay $0x4  }
0xa0: {  	v6 =	vshrl.u32 v5, $0x3  }
0xa1: {  	v6 =	vmul.u32 $0x18, v6  }
0xa2: {  	v5 =	vand.u32 $0x7, v5  }
0xa3: {  	v5 =	vor.u32 v5, v6  }
0xa4: {  	v6 =	vperm.xlane v5, v2;
	_ =	sdelay $0x1  }
0xa5: {  	v6 =	vadd.s32 v3, v6;
	_ =	sdelay $0x1  }
0xa6: {  	v5 =	vperm.xlane v5, v4;
	_ =	sdelay $0x1  }
0xa7: {  	v5 =	vadd.s32 v3, v5  }
0xa8: {  	[hbm4b:s1+s3] =	stream.indirect_vreg.scatter [tilespmem:s31], [sflag:$0x3], $0x80, v6, vm0, $0xb8;
	[tilespmem:$0x18400] =	vst v63  }
0xa9: {  	s2 =	simm.s32 $0x9C00  }
0xaa: {  	[hbm4b:s6+s3] =	stream.indirect_vreg.scatter [tilespmem:s2], [sflag:$0x3], $0x80, v6, vm1, $0xb8;
	[tilespmem:$0x18400] =	vst v63  }
0xab: {  	s5 =	simm.s32 $0xA000  }
0xac: {  	[hbm4b:s1+s3] =	stream.indirect_vreg.scatter [tilespmem:s5], [sflag:$0x3], $0x80, v5, vm0, $0xb8;
	[tilespmem:$0x18400] =	vst v63  }
0xad: {  	s2 =	simm.s32 $0xA800  }
0xae: {  	[hbm4b:s6+s3] =	stream.indirect_vreg.scatter [tilespmem:s2], [sflag:$0x3], $0x80, v5, vm1, $0xb8;
	[tilespmem:$0x18400] =	vst v63  }
0xaf: {  	v5 =	vld [tilespmem:$0x270];
	_ =	sdelay $0x4  }
0xb0: {  	v6 =	vshrl.u32 v5, $0x3  }
0xb1: {  	v6 =	vmul.u32 $0x18, v6  }
0xb2: {  	v5 =	vand.u32 $0x7, v5  }
0xb3: {  	v5 =	vor.u32 v5, v6  }
0xb4: {  	v6 =	vperm.xlane v5, v2;
	_ =	sdelay $0x1  }
0xb5: {  	v6 =	vadd.s32 v3, v6;
	_ =	sdelay $0x1  }
0xb6: {  	v5 =	vperm.xlane v5, v4;
	_ =	sdelay $0x1  }
0xb7: {  	s5 =	simm.s32 $0xAC00;
	v5 =	vadd.s32 v3, v5  }
0xb8: {  	[hbm4b:s1+s3] =	stream.indirect_vreg.scatter [tilespmem:s5], [sflag:$0x3], $0x80, v6, vm0, $0xb8;
	[tilespmem:$0x18400] =	vst v63  }
0xb9: {  	s2 =	simm.s32 $0xB400  }
0xba: {  	[hbm4b:s6+s3] =	stream.indirect_vreg.scatter [tilespmem:s2], [sflag:$0x3], $0x80, v6, vm1, $0xb8;
	[tilespmem:$0x18400] =	vst v63  }
0xbb: {  	s5 =	simm.s32 $0xB800  }
0xbc: {  	[hbm4b:s1+s3] =	stream.indirect_vreg.scatter [tilespmem:s5], [sflag:$0x3], $0x80, v5, vm0, $0xb8;
	[tilespmem:$0x18400] =	vst v63  }
0xbd: {  	s5 =	simm.s32 $0xC000  }
0xbe: {  	[hbm4b:s6+s3] =	stream.indirect_vreg.scatter [tilespmem:s5], [sflag:$0x3], $0x80, v5, vm1, $0xb8;
	[tilespmem:$0x18400] =	vst v63  }
0xbf: {  	s2 =	rddreg [dreg:$0x5]  }
0xc0: {  	[tilespmem:s4], [sflag:$0x2] =	stream.linear.gather [hbm4b:s2+s3], $0xC000, $0x38;
	[tilespmem:$0x18400] =	vst v63  }
0xc1: {  	s2 =	simm.s32 $0x2  }
0xc2: {  	_ =	swait.ge [sflag:s2], $0xC000  }
0xc3: {  	[sflag:s2] =	ssyncset.done $0x0  }
0xc4: {  	[sflag:s2] =	ssyncadd.s32 $0xFFFF4000  }
0xc5: {  	v5 =	vld [tilespmem:$0x280];
	_ =	sdelay $0x4  }
0xc6: {  	v6 =	vshrl.u32 v5, $0x3  }
0xc7: {  	v6 =	vmul.u32 $0x18, v6  }
0xc8: {  	v5 =	vand.u32 $0x7, v5  }
0xc9: {  	v5 =	vor.u32 v5, v6  }
0xca: {  	v6 =	vperm.xlane v5, v2;
	_ =	sdelay $0x1  }
0xcb: {  	v6 =	vadd.s32 v3, v6;
	_ =	sdelay $0x1  }
0xcc: {  	v5 =	vperm.xlane v5, v4;
	_ =	sdelay $0x1  }
0xcd: {  	v5 =	vadd.s32 v3, v5  }
0xce: {  	[hbm4b:s1+s3] =	stream.indirect_vreg.scatter [tilespmem:s4], [sflag:$0x4], $0x80, v6, vm0, $0xb8;
	[tilespmem:$0x18400] =	vst v63  }
0xcf: {  	s0 =	simm.s32 $0xCC00  }
0xd0: {  	[hbm4b:s6+s3] =	stream.indirect_vreg.scatter [tilespmem:s0], [sflag:$0x4], $0x80, v6, vm1, $0xb8;
	[tilespmem:$0x18400] =	vst v63  }
0xd1: {  	s0 =	simm.s32 $0xD000  }
0xd2: {  	[hbm4b:s1+s3] =	stream.indirect_vreg.scatter [tilespmem:s0], [sflag:$0x4], $0x80, v5, vm0, $0xb8;
	[tilespmem:$0x18400] =	vst v63  }
0xd3: {  	s0 =	simm.s32 $0xD800  }
0xd4: {  	[hbm4b:s6+s3] =	stream.indirect_vreg.scatter [tilespmem:s0], [sflag:$0x4], $0x80, v5, vm1, $0xb8;
	[tilespmem:$0x18400] =	vst v63  }
0xd5: {  	v5 =	vld [tilespmem:$0x290];
	_ =	sdelay $0x4  }
0xd6: {  	v6 =	vshrl.u32 v5, $0x3  }
0xd7: {  	v6 =	vmul.u32 $0x18, v6  }
0xd8: {  	v5 =	vand.u32 $0x7, v5  }
0xd9: {  	v5 =	vor.u32 v5, v6  }
0xda: {  	v6 =	vperm.xlane v5, v2;
	_ =	sdelay $0x1  }
0xdb: {  	v6 =	vadd.s32 v3, v6;
	_ =	sdelay $0x1  }
0xdc: {  	v5 =	vperm.xlane v5, v4;
	_ =	sdelay $0x1  }
0xdd: {  	s0 =	simm.s32 $0xDC00;
	v5 =	vadd.s32 v3, v5  }
0xde: {  	[hbm4b:s1+s3] =	stream.indirect_vreg.scatter [tilespmem:s0], [sflag:$0x4], $0x80, v6, vm0, $0xb8;
	[tilespmem:$0x18400] =	vst v63  }
0xdf: {  	s0 =	simm.s32 $0xE400  }
0xe0: {  	[hbm4b:s6+s3] =	stream.indirect_vreg.scatter [tilespmem:s0], [sflag:$0x4], $0x80, v6, vm1, $0xb8;
	[tilespmem:$0x18400] =	vst v63  }
0xe1: {  	s0 =	simm.s32 $0xE800  }
0xe2: {  	[hbm4b:s1+s3] =	stream.indirect_vreg.scatter [tilespmem:s0], [sflag:$0x4], $0x80, v5, vm0, $0xb8;
	[tilespmem:$0x18400] =	vst v63  }
0xe3: {  	s0 =	simm.s32 $0xF000  }
0xe4: {  	[hbm4b:s6+s3] =	stream.indirect_vreg.scatter [tilespmem:s0], [sflag:$0x4], $0x80, v5, vm1, $0xb8;
	[tilespmem:$0x18400] =	vst v63  }
0xe5: {  	v5 =	vld [tilespmem:$0x2A0];
	_ =	sdelay $0x4  }
0xe6: {  	v6 =	vshrl.u32 v5, $0x3  }
0xe7: {  	v6 =	vmul.u32 $0x18, v6  }
0xe8: {  	v5 =	vand.u32 $0x7, v5  }
0xe9: {  	v5 =	vor.u32 v5, v6  }
0xea: {  	v6 =	vperm.xlane v5, v2;
	_ =	sdelay $0x1  }
0xeb: {  	v6 =	vadd.s32 v3, v6;
	_ =	sdelay $0x1  }
0xec: {  	v5 =	vperm.xlane v5, v4;
	_ =	sdelay $0x1  }
0xed: {  	s0 =	simm.s32 $0xF400;
	v5 =	vadd.s32 v3, v5  }
0xee: {  	[hbm4b:s1+s3] =	stream.indirect_vreg.scatter [tilespmem:s0], [sflag:$0x4], $0x80, v6, vm0, $0xb8;
	[tilespmem:$0x18400] =	vst v63  }
0xef: {  	s0 =	simm.s32 $0xFC00  }
0xf0: {  	[hbm4b:s6+s3] =	stream.indirect_vreg.scatter [tilespmem:s0], [sflag:$0x4], $0x80, v6, vm1, $0xb8;
	[tilespmem:$0x18400] =	vst v63  }
0xf1: {  	s0 =	simm.s32 $0x10000  }
0xf2: {  	[hbm4b:s1+s3] =	stream.indirect_vreg.scatter [tilespmem:s0], [sflag:$0x4], $0x80, v5, vm0, $0xb8;
	[tilespmem:$0x18400] =	vst v63  }
0xf3: {  	s0 =	simm.s32 $0x10800  }
0xf4: {  	[hbm4b:s6+s3] =	stream.indirect_vreg.scatter [tilespmem:s0], [sflag:$0x4], $0x80, v5, vm1, $0xb8;
	[tilespmem:$0x18400] =	vst v63  }
0xf5: {  	v5 =	vld [tilespmem:$0x2B0];
	_ =	sdelay $0x4  }
0xf6: {  	v6 =	vshrl.u32 v5, $0x3  }
0xf7: {  	v6 =	vmul.u32 $0x18, v6  }
0xf8: {  	v5 =	vand.u32 $0x7, v5  }
0xf9: {  	v5 =	vor.u32 v5, v6  }
0xfa: {  	v6 =	vperm.xlane v5, v2;
	_ =	sdelay $0x1  }
0xfb: {  	v6 =	vadd.s32 v3, v6;
	_ =	sdelay $0x1  }
0xfc: {  	v5 =	vperm.xlane v5, v4;
	_ =	sdelay $0x1  }
0xfd: {  	s0 =	simm.s32 $0x10C00;
	v5 =	vadd.s32 v3, v5  }
0xfe: {  	[hbm4b:s1+s3] =	stream.indirect_vreg.scatter [tilespmem:s0], [sflag:$0x4], $0x80, v6, vm0, $0xb8;
	[tilespmem:$0x18400] =	vst v63  }
0xff: {  	s0 =	simm.s32 $0x11400  }
0x100: {  	[hbm4b:s6+s3] =	stream.indirect_vreg.scatter [tilespmem:s0], [sflag:$0x4], $0x80, v6, vm1, $0xb8;
	[tilespmem:$0x18400] =	vst v63  }
0x101: {  	s0 =	simm.s32 $0x11800  }
0x102: {  	[hbm4b:s1+s3] =	stream.indirect_vreg.scatter [tilespmem:s0], [sflag:$0x4], $0x80, v5, vm0, $0xb8;
	[tilespmem:$0x18400] =	vst v63  }
0x103: {  	s0 =	simm.s32 $0x12000  }
0x104: {  	[hbm4b:s6+s3] =	stream.indirect_vreg.scatter [tilespmem:s0], [sflag:$0x4], $0x80, v5, vm1, $0xb8;
	[tilespmem:$0x18400] =	vst v63  }
0x105: {  	v5 =	vld [tilespmem:$0x2C0];
	_ =	sdelay $0x4  }
0x106: {  	v6 =	vshrl.u32 v5, $0x3  }
0x107: {  	v6 =	vmul.u32 $0x18, v6  }
0x108: {  	v5 =	vand.u32 $0x7, v5  }
0x109: {  	v5 =	vor.u32 v5, v6  }
0x10a: {  	v6 =	vperm.xlane v5, v2;
	_ =	sdelay $0x1  }
0x10b: {  	v6 =	vadd.s32 v3, v6;
	_ =	sdelay $0x1  }
0x10c: {  	v5 =	vperm.xlane v5, v4;
	_ =	sdelay $0x1  }
0x10d: {  	s0 =	simm.s32 $0x12400;
	v5 =	vadd.s32 v3, v5  }
0x10e: {  	[hbm4b:s1+s3] =	stream.indirect_vreg.scatter [tilespmem:s0], [sflag:$0x4], $0x80, v6, vm0, $0xb8;
	[tilespmem:$0x18400] =	vst v63  }
0x10f: {  	s0 =	simm.s32 $0x12C00  }
0x110: {  	[hbm4b:s6+s3] =	stream.indirect_vreg.scatter [tilespmem:s0], [sflag:$0x4], $0x80, v6, vm1, $0xb8;
	[tilespmem:$0x18400] =	vst v63  }
0x111: {  	s0 =	simm.s32 $0x13000  }
0x112: {  	[hbm4b:s1+s3] =	stream.indirect_vreg.scatter [tilespmem:s0], [sflag:$0x4], $0x80, v5, vm0, $0xb8;
	[tilespmem:$0x18400] =	vst v63  }
0x113: {  	s0 =	simm.s32 $0x13800  }
0x114: {  	[hbm4b:s6+s3] =	stream.indirect_vreg.scatter [tilespmem:s0], [sflag:$0x4], $0x80, v5, vm1, $0xb8;
	[tilespmem:$0x18400] =	vst v63  }
0x115: {  	v5 =	vld [tilespmem:$0x2D0];
	_ =	sdelay $0x4  }
0x116: {  	v6 =	vshrl.u32 v5, $0x3  }
0x117: {  	v6 =	vmul.u32 $0x18, v6  }
0x118: {  	v5 =	vand.u32 $0x7, v5  }
0x119: {  	v5 =	vor.u32 v5, v6  }
0x11a: {  	v6 =	vperm.xlane v5, v2;
	_ =	sdelay $0x1  }
0x11b: {  	v6 =	vadd.s32 v3, v6;
	_ =	sdelay $0x1  }
0x11c: {  	v5 =	vperm.xlane v5, v4;
	_ =	sdelay $0x1  }
0x11d: {  	s0 =	simm.s32 $0x13C00;
	v5 =	vadd.s32 v3, v5  }
0x11e: {  	[hbm4b:s1+s3] =	stream.indirect_vreg.scatter [tilespmem:s0], [sflag:$0x4], $0x80, v6, vm0, $0xb8;
	[tilespmem:$0x18400] =	vst v63  }
0x11f: {  	s0 =	simm.s32 $0x14400  }
0x120: {  	[hbm4b:s6+s3] =	stream.indirect_vreg.scatter [tilespmem:s0], [sflag:$0x4], $0x80, v6, vm1, $0xb8;
	[tilespmem:$0x18400] =	vst v63  }
0x121: {  	s0 =	simm.s32 $0x14800  }
0x122: {  	[hbm4b:s1+s3] =	stream.indirect_vreg.scatter [tilespmem:s0], [sflag:$0x4], $0x80, v5, vm0, $0xb8;
	[tilespmem:$0x18400] =	vst v63  }
0x123: {  	s0 =	simm.s32 $0x15000  }
0x124: {  	[hbm4b:s6+s3] =	stream.indirect_vreg.scatter [tilespmem:s0], [sflag:$0x4], $0x80, v5, vm1, $0xb8;
	[tilespmem:$0x18400] =	vst v63  }
0x125: {  	v5 =	vld [tilespmem:$0x2E0];
	_ =	sdelay $0x4  }
0x126: {  	v6 =	vshrl.u32 v5, $0x3  }
0x127: {  	v6 =	vmul.u32 $0x18, v6  }
0x128: {  	v5 =	vand.u32 $0x7, v5  }
0x129: {  	v5 =	vor.u32 v5, v6  }
0x12a: {  	v6 =	vperm.xlane v5, v2;
	_ =	sdelay $0x1  }
0x12b: {  	v6 =	vadd.s32 v3, v6;
	_ =	sdelay $0x1  }
0x12c: {  	v5 =	vperm.xlane v5, v4;
	_ =	sdelay $0x1  }
0x12d: {  	s0 =	simm.s32 $0x15400;
	v5 =	vadd.s32 v3, v5  }
0x12e: {  	[hbm4b:s1+s3] =	stream.indirect_vreg.scatter [tilespmem:s0], [sflag:$0x4], $0x80, v6, vm0, $0xb8;
	[tilespmem:$0x18400] =	vst v63  }
0x12f: {  	s0 =	simm.s32 $0x15C00  }
0x130: {  	[hbm4b:s6+s3] =	stream.indirect_vreg.scatter [tilespmem:s0], [sflag:$0x4], $0x80, v6, vm1, $0xb8;
	[tilespmem:$0x18400] =	vst v63  }
0x131: {  	s0 =	simm.s32 $0x16000  }
0x132: {  	[hbm4b:s1+s3] =	stream.indirect_vreg.scatter [tilespmem:s0], [sflag:$0x4], $0x80, v5, vm0, $0xb8;
	[tilespmem:$0x18400] =	vst v63  }
0x133: {  	s0 =	simm.s32 $0x16800  }
0x134: {  	[hbm4b:s6+s3] =	stream.indirect_vreg.scatter [tilespmem:s0], [sflag:$0x4], $0x80, v5, vm1, $0xb8;
	[tilespmem:$0x18400] =	vst v63  }
0x135: {  	v5 =	vld [tilespmem:$0x2F0];
	_ =	sdelay $0x4  }
0x136: {  	v6 =	vshrl.u32 v5, $0x3  }
0x137: {  	v6 =	vmul.u32 $0x18, v6  }
0x138: {  	v5 =	vand.u32 $0x7, v5  }
0x139: {  	v5 =	vor.u32 v5, v6  }
0x13a: {  	v6 =	vperm.xlane v5, v2;
	_ =	sdelay $0x1  }
0x13b: {  	v6 =	vadd.s32 v3, v6;
	_ =	sdelay $0x1  }
0x13c: {  	v5 =	vperm.xlane v5, v4;
	_ =	sdelay $0x1  }
0x13d: {  	s0 =	simm.s32 $0x16C00;
	v5 =	vadd.s32 v3, v5  }
0x13e: {  	[hbm4b:s1+s3] =	stream.indirect_vreg.scatter [tilespmem:s0], [sflag:$0x4], $0x80, v6, vm0, $0xb8;
	[tilespmem:$0x18400] =	vst v63  }
0x13f: {  	s0 =	simm.s32 $0x17400  }
0x140: {  	[hbm4b:s6+s3] =	stream.indirect_vreg.scatter [tilespmem:s0], [sflag:$0x4], $0x80, v6, vm1, $0xb8;
	[tilespmem:$0x18400] =	vst v63  }
0x141: {  	s0 =	simm.s32 $0x17800  }
0x142: {  	[hbm4b:s1+s3] =	stream.indirect_vreg.scatter [tilespmem:s0], [sflag:$0x4], $0x80, v5, vm0, $0xb8;
	[tilespmem:$0x18400] =	vst v63  }
0x143: {  	s0 =	simm.s32 $0x18000  }
0x144: {  	[hbm4b:s6+s3] =	stream.indirect_vreg.scatter [tilespmem:s0], [sflag:$0x4], $0x80, v5, vm1, $0xb8;
	[tilespmem:$0x18400] =	vst v63  }
0x145: {  	s0 =	simm.s32 $0x3  }
0x146: {  	_ =	swait.ge [sflag:s0], $0xC000  }
0x147: {  	[sflag:s0] =	ssyncset.done $0x0  }
0x148: {  	[sflag:s0] =	ssyncadd.s32 $0xFFFF4000;
	s0 =	rddreg [dreg:$0x9]  }
0x149: {  	[tilespmem:s10], [sflag:$0x1] =	stream.linear.gather [hbm4b:s0+s3], $0xC000, $0x38;
	[tilespmem:$0x18400] =	vst v63  }
0x14a: {  	_ =	swait.ge [sflag:s21], $0xC000  }
0x14b: {  	[sflag:s21] =	ssyncset.done $0x0  }
0x14c: {  	[sflag:s21] =	ssyncadd.s32 $0xFFFF4000  }
0x14d: {  	v5 =	vld [tilespmem:$0x300];
	_ =	sdelay $0x4  }
0x14e: {  	v6 =	vshrl.u32 v5, $0x3  }
0x14f: {  	v6 =	vmul.u32 $0x18, v6  }
0x150: {  	v5 =	vand.u32 $0x7, v5  }
0x151: {  	v5 =	vor.u32 v5, v6  }
0x152: {  	v6 =	vperm.xlane v5, v2;
	_ =	sdelay $0x1  }
0x153: {  	v6 =	vadd.s32 v3, v6;
	_ =	sdelay $0x1  }
0x154: {  	v5 =	vperm.xlane v5, v4;
	_ =	sdelay $0x1  }
0x155: {  	v5 =	vadd.s32 v3, v5  }
0x156: {  	[hbm4b:s1+s3] =	stream.indirect_vreg.scatter [tilespmem:s10], [sflag:$0x3], $0x80, v6, vm0, $0xb8;
	[tilespmem:$0x18400] =	vst v63  }
0x157: {  	s0 =	simm.s32 $0xC00  }
0x158: {  	[hbm4b:s6+s3] =	stream.indirect_vreg.scatter [tilespmem:s0], [sflag:$0x3], $0x80, v6, vm1, $0xb8;
	[tilespmem:$0x18400] =	vst v63  }
0x159: {  	_ = 	snop  }
0x15a: {  	[hbm4b:s1+s3] =	stream.indirect_vreg.scatter [tilespmem:s11], [sflag:$0x3], $0x80, v5, vm0, $0xb8;
	[tilespmem:$0x18400] =	vst v63  }
0x15b: {  	_ = 	snop  }
0x15c: {  	[hbm4b:s6+s3] =	stream.indirect_vreg.scatter [tilespmem:s12], [sflag:$0x3], $0x80, v5, vm1, $0xb8;
	[tilespmem:$0x18400] =	vst v63  }
0x15d: {  	v5 =	vld [tilespmem:$0x310];
	_ =	sdelay $0x4  }
0x15e: {  	v6 =	vshrl.u32 v5, $0x3  }
0x15f: {  	v6 =	vmul.u32 $0x18, v6  }
0x160: {  	v5 =	vand.u32 $0x7, v5  }
0x161: {  	v5 =	vor.u32 v5, v6  }
0x162: {  	v6 =	vperm.xlane v5, v2;
	_ =	sdelay $0x1  }
0x163: {  	v6 =	vadd.s32 v3, v6;
	_ =	sdelay $0x1  }
0x164: {  	v5 =	vperm.xlane v5, v4;
	_ =	sdelay $0x1  }
0x165: {  	v5 =	vadd.s32 v3, v5  }
0x166: {  	[hbm4b:s1+s3] =	stream.indirect_vreg.scatter [tilespmem:s13], [sflag:$0x3], $0x80, v6, vm0, $0xb8;
	[tilespmem:$0x18400] =	vst v63  }
0x167: {  	_ = 	snop  }
0x168: {  	[hbm4b:s6+s3] =	stream.indirect_vreg.scatter [tilespmem:s14], [sflag:$0x3], $0x80, v6, vm1, $0xb8;
	[tilespmem:$0x18400] =	vst v63  }
0x169: {  	_ = 	snop  }
0x16a: {  	[hbm4b:s1+s3] =	stream.indirect_vreg.scatter [tilespmem:s15], [sflag:$0x3], $0x80, v5, vm0, $0xb8;
	[tilespmem:$0x18400] =	vst v63  }
0x16b: {  	_ = 	snop  }
0x16c: {  	[hbm4b:s6+s3] =	stream.indirect_vreg.scatter [tilespmem:s16], [sflag:$0x3], $0x80, v5, vm1, $0xb8;
	[tilespmem:$0x18400] =	vst v63  }
0x16d: {  	v5 =	vld [tilespmem:$0x320];
	_ =	sdelay $0x4  }
0x16e: {  	v6 =	vshrl.u32 v5, $0x3  }
0x16f: {  	v6 =	vmul.u32 $0x18, v6  }
0x170: {  	v5 =	vand.u32 $0x7, v5  }
0x171: {  	v5 =	vor.u32 v5, v6  }
0x172: {  	v6 =	vperm.xlane v5, v2;
	_ =	sdelay $0x1  }
0x173: {  	v6 =	vadd.s32 v3, v6;
	_ =	sdelay $0x1  }
0x174: {  	v5 =	vperm.xlane v5, v4;
	_ =	sdelay $0x1  }
0x175: {  	v5 =	vadd.s32 v3, v5  }
0x176: {  	[hbm4b:s1+s3] =	stream.indirect_vreg.scatter [tilespmem:s17], [sflag:$0x3], $0x80, v6, vm0, $0xb8;
	[tilespmem:$0x18400] =	vst v63  }
0x177: {  	_ = 	snop  }
0x178: {  	[hbm4b:s6+s3] =	stream.indirect_vreg.scatter [tilespmem:s18], [sflag:$0x3], $0x80, v6, vm1, $0xb8;
	[tilespmem:$0x18400] =	vst v63  }
0x179: {  	_ = 	snop  }
0x17a: {  	[hbm4b:s1+s3] =	stream.indirect_vreg.scatter [tilespmem:s19], [sflag:$0x3], $0x80, v5, vm0, $0xb8;
	[tilespmem:$0x18400] =	vst v63  }
0x17b: {  	_ = 	snop  }
0x17c: {  	[hbm4b:s6+s3] =	stream.indirect_vreg.scatter [tilespmem:s22], [sflag:$0x3], $0x80, v5, vm1, $0xb8;
	[tilespmem:$0x18400] =	vst v63  }
0x17d: {  	v5 =	vld [tilespmem:$0x330];
	_ =	sdelay $0x4  }
0x17e: {  	v6 =	vshrl.u32 v5, $0x3  }
0x17f: {  	v6 =	vmul.u32 $0x18, v6  }
0x180: {  	v5 =	vand.u32 $0x7, v5  }
0x181: {  	v5 =	vor.u32 v5, v6  }
0x182: {  	v6 =	vperm.xlane v5, v2;
	_ =	sdelay $0x1  }
0x183: {  	v6 =	vadd.s32 v3, v6;
	_ =	sdelay $0x1  }
0x184: {  	v5 =	vperm.xlane v5, v4;
	_ =	sdelay $0x1  }
0x185: {  	v5 =	vadd.s32 v3, v5  }
0x186: {  	[hbm4b:s1+s3] =	stream.indirect_vreg.scatter [tilespmem:s23], [sflag:$0x3], $0x80, v6, vm0, $0xb8;
	[tilespmem:$0x18400] =	vst v63  }
0x187: {  	s0 =	simm.s32 $0x5400  }
0x188: {  	[hbm4b:s6+s3] =	stream.indirect_vreg.scatter [tilespmem:s0], [sflag:$0x3], $0x80, v6, vm1, $0xb8;
	[tilespmem:$0x18400] =	vst v63  }
0x189: {  	_ = 	snop  }
0x18a: {  	[hbm4b:s1+s3] =	stream.indirect_vreg.scatter [tilespmem:s24], [sflag:$0x3], $0x80, v5, vm0, $0xb8;
	[tilespmem:$0x18400] =	vst v63  }
0x18b: {  	_ = 	snop  }
0x18c: {  	[hbm4b:s6+s3] =	stream.indirect_vreg.scatter [tilespmem:s25], [sflag:$0x3], $0x80, v5, vm1, $0xb8;
	[tilespmem:$0x18400] =	vst v63  }
0x18d: {  	v5 =	vld [tilespmem:$0x340];
	_ =	sdelay $0x4  }
0x18e: {  	v6 =	vshrl.u32 v5, $0x3  }
0x18f: {  	v6 =	vmul.u32 $0x18, v6  }
0x190: {  	v5 =	vand.u32 $0x7, v5  }
0x191: {  	v5 =	vor.u32 v5, v6  }
0x192: {  	v6 =	vperm.xlane v5, v2;
	_ =	sdelay $0x1  }
0x193: {  	v6 =	vadd.s32 v3, v6;
	_ =	sdelay $0x1  }
0x194: {  	v5 =	vperm.xlane v5, v4;
	_ =	sdelay $0x1  }
0x195: {  	v5 =	vadd.s32 v3, v5  }
0x196: {  	[hbm4b:s1+s3] =	stream.indirect_vreg.scatter [tilespmem:s26], [sflag:$0x3], $0x80, v6, vm0, $0xb8;
	[tilespmem:$0x18400] =	vst v63  }
0x197: {  	_ = 	snop  }
0x198: {  	[hbm4b:s6+s3] =	stream.indirect_vreg.scatter [tilespmem:s28], [sflag:$0x3], $0x80, v6, vm1, $0xb8;
	[tilespmem:$0x18400] =	vst v63  }
0x199: {  	s0 =	simm.s32 $0x7000  }
0x19a: {  	[hbm4b:s1+s3] =	stream.indirect_vreg.scatter [tilespmem:s0], [sflag:$0x3], $0x80, v5, vm0, $0xb8;
	[tilespmem:$0x18400] =	vst v63  }
0x19b: {  	_ = 	snop  }
0x19c: {  	[hbm4b:s6+s3] =	stream.indirect_vreg.scatter [tilespmem:s29], [sflag:$0x3], $0x80, v5, vm1, $0xb8;
	[tilespmem:$0x18400] =	vst v63  }
0x19d: {  	v5 =	vld [tilespmem:$0x350];
	_ =	sdelay $0x4  }
0x19e: {  	v6 =	vshrl.u32 v5, $0x3  }
0x19f: {  	v6 =	vmul.u32 $0x18, v6  }
0x1a0: {  	v5 =	vand.u32 $0x7, v5  }
0x1a1: {  	v5 =	vor.u32 v5, v6  }
0x1a2: {  	v6 =	vperm.xlane v5, v2;
	_ =	sdelay $0x1  }
0x1a3: {  	v6 =	vadd.s32 v3, v6;
	_ =	sdelay $0x1  }
0x1a4: {  	v5 =	vperm.xlane v5, v4;
	_ =	sdelay $0x1  }
0x1a5: {  	v5 =	vadd.s32 v3, v5  }
0x1a6: {  	[hbm4b:s1+s3] =	stream.indirect_vreg.scatter [tilespmem:s9], [sflag:$0x3], $0x80, v6, vm0, $0xb8;
	[tilespmem:$0x18400] =	vst v63  }
0x1a7: {  	_ = 	snop  }
0x1a8: {  	[hbm4b:s6+s3] =	stream.indirect_vreg.scatter [tilespmem:s30], [sflag:$0x3], $0x80, v6, vm1, $0xb8;
	[tilespmem:$0x18400] =	vst v63  }
0x1a9: {  	_ = 	snop  }
0x1aa: {  	[hbm4b:s1+s3] =	stream.indirect_vreg.scatter [tilespmem:s20], [sflag:$0x3], $0x80, v5, vm0, $0xb8;
	[tilespmem:$0x18400] =	vst v63  }
0x1ab: {  	_ = 	snop  }
0x1ac: {  	[hbm4b:s6+s3] =	stream.indirect_vreg.scatter [tilespmem:s8], [sflag:$0x3], $0x80, v5, vm1, $0xb8;
	[tilespmem:$0x18400] =	vst v63  }
0x1ad: {  	v5 =	vld [tilespmem:$0x360];
	_ =	sdelay $0x4  }
0x1ae: {  	v6 =	vshrl.u32 v5, $0x3  }
0x1af: {  	v6 =	vmul.u32 $0x18, v6  }
0x1b0: {  	v5 =	vand.u32 $0x7, v5  }
0x1b1: {  	v5 =	vor.u32 v5, v6  }
0x1b2: {  	v6 =	vperm.xlane v5, v2;
	_ =	sdelay $0x1  }
0x1b3: {  	v6 =	vadd.s32 v3, v6;
	_ =	sdelay $0x1  }
0x1b4: {  	v5 =	vperm.xlane v5, v4;
	_ =	sdelay $0x1  }
0x1b5: {  	v5 =	vadd.s32 v3, v5  }
0x1b6: {  	[hbm4b:s1+s3] =	stream.indirect_vreg.scatter [tilespmem:s31], [sflag:$0x3], $0x80, v6, vm0, $0xb8;
	[tilespmem:$0x18400] =	vst v63  }
0x1b7: {  	s0 =	simm.s32 $0x9C00  }
0x1b8: {  	[hbm4b:s6+s3] =	stream.indirect_vreg.scatter [tilespmem:s0], [sflag:$0x3], $0x80, v6, vm1, $0xb8;
	[tilespmem:$0x18400] =	vst v63  }
0x1b9: {  	s0 =	simm.s32 $0xA000  }
0x1ba: {  	[hbm4b:s1+s3] =	stream.indirect_vreg.scatter [tilespmem:s0], [sflag:$0x3], $0x80, v5, vm0, $0xb8;
	[tilespmem:$0x18400] =	vst v63  }
0x1bb: {  	s0 =	simm.s32 $0xA800  }
0x1bc: {  	[hbm4b:s6+s3] =	stream.indirect_vreg.scatter [tilespmem:s0], [sflag:$0x3], $0x80, v5, vm1, $0xb8;
	[tilespmem:$0x18400] =	vst v63  }
0x1bd: {  	v5 =	vld [tilespmem:$0x370];
	_ =	sdelay $0x4  }
0x1be: {  	v6 =	vshrl.u32 v5, $0x3  }
0x1bf: {  	v6 =	vmul.u32 $0x18, v6  }
0x1c0: {  	v5 =	vand.u32 $0x7, v5  }
0x1c1: {  	v5 =	vor.u32 v5, v6  }
0x1c2: {  	v6 =	vperm.xlane v5, v2;
	_ =	sdelay $0x1  }
0x1c3: {  	v6 =	vadd.s32 v3, v6;
	_ =	sdelay $0x1  }
0x1c4: {  	v5 =	vperm.xlane v5, v4;
	_ =	sdelay $0x1  }
0x1c5: {  	s0 =	simm.s32 $0xAC00;
	v5 =	vadd.s32 v3, v5  }
0x1c6: {  	[hbm4b:s1+s3] =	stream.indirect_vreg.scatter [tilespmem:s0], [sflag:$0x3], $0x80, v6, vm0, $0xb8;
	[tilespmem:$0x18400] =	vst v63  }
0x1c7: {  	s0 =	simm.s32 $0xB400  }
0x1c8: {  	[hbm4b:s6+s3] =	stream.indirect_vreg.scatter [tilespmem:s0], [sflag:$0x3], $0x80, v6, vm1, $0xb8;
	[tilespmem:$0x18400] =	vst v63  }
0x1c9: {  	s0 =	simm.s32 $0xB800  }
0x1ca: {  	[hbm4b:s1+s3] =	stream.indirect_vreg.scatter [tilespmem:s0], [sflag:$0x3], $0x80, v5, vm0, $0xb8;
	[tilespmem:$0x18400] =	vst v63  }
0x1cb: {  	_ = 	snop  }
0x1cc: {  	[hbm4b:s6+s3] =	stream.indirect_vreg.scatter [tilespmem:s5], [sflag:$0x3], $0x80, v5, vm1, $0xb8;
	[tilespmem:$0x18400] =	vst v63  }
0x1cd: {  	s5 =	simm.s32 $0x4  }
0x1ce: {  	_ =	swait.ge [sflag:s5], $0xC000  }
0x1cf: {  	[sflag:s5] =	ssyncset.done $0x0  }
0x1d0: {  	s0 =	rddreg [dreg:$0x6];
	[sflag:s5] =	ssyncadd.s32 $0xFFFF4000  }
0x1d1: {  	[tilespmem:s4], [sflag:$0x2] =	stream.linear.gather [hbm4b:s0+s3], $0xC000, $0x38;
	[tilespmem:$0x18400] =	vst v63  }
0x1d2: {  	_ =	swait.ge [sflag:s2], $0xC000  }
0x1d3: {  	[sflag:s2] =	ssyncset.done $0x0  }
0x1d4: {  	[sflag:s2] =	ssyncadd.s32 $0xFFFF4000  }
0x1d5: {  	v5 =	vld [tilespmem:$0x380];
	_ =	sdelay $0x4  }
0x1d6: {  	v6 =	vshrl.u32 v5, $0x3  }
0x1d7: {  	v6 =	vmul.u32 $0x18, v6  }
0x1d8: {  	v5 =	vand.u32 $0x7, v5  }
0x1d9: {  	v5 =	vor.u32 v5, v6  }
0x1da: {  	v6 =	vperm.xlane v5, v2;
	_ =	sdelay $0x1  }
0x1db: {  	v6 =	vadd.s32 v3, v6;
	_ =	sdelay $0x1  }
0x1dc: {  	v5 =	vperm.xlane v5, v4;
	_ =	sdelay $0x1  }
0x1dd: {  	v5 =	vadd.s32 v3, v5  }
0x1de: {  	[hbm4b:s1+s3] =	stream.indirect_vreg.scatter [tilespmem:s4], [sflag:$0x4], $0x80, v6, vm0, $0xb8;
	[tilespmem:$0x18400] =	vst v63  }
0x1df: {  	s2 =	simm.s32 $0xCC00  }
0x1e0: {  	[hbm4b:s6+s3] =	stream.indirect_vreg.scatter [tilespmem:s2], [sflag:$0x4], $0x80, v6, vm1, $0xb8;
	[tilespmem:$0x18400] =	vst v63  }
0x1e1: {  	s2 =	simm.s32 $0xD000  }
0x1e2: {  	[hbm4b:s1+s3] =	stream.indirect_vreg.scatter [tilespmem:s2], [sflag:$0x4], $0x80, v5, vm0, $0xb8;
	[tilespmem:$0x18400] =	vst v63  }
0x1e3: {  	s2 =	simm.s32 $0xD800  }
0x1e4: {  	[hbm4b:s6+s3] =	stream.indirect_vreg.scatter [tilespmem:s2], [sflag:$0x4], $0x80, v5, vm1, $0xb8;
	[tilespmem:$0x18400] =	vst v63  }
0x1e5: {  	v5 =	vld [tilespmem:$0x390];
	_ =	sdelay $0x4  }
0x1e6: {  	v6 =	vshrl.u32 v5, $0x3  }
0x1e7: {  	v6 =	vmul.u32 $0x18, v6  }
0x1e8: {  	v5 =	vand.u32 $0x7, v5  }
0x1e9: {  	v5 =	vor.u32 v5, v6  }
0x1ea: {  	v6 =	vperm.xlane v5, v2;
	_ =	sdelay $0x1  }
0x1eb: {  	v6 =	vadd.s32 v3, v6;
	_ =	sdelay $0x1  }
0x1ec: {  	v5 =	vperm.xlane v5, v4;
	_ =	sdelay $0x1  }
0x1ed: {  	s2 =	simm.s32 $0xDC00;
	v5 =	vadd.s32 v3, v5  }
0x1ee: {  	[hbm4b:s1+s3] =	stream.indirect_vreg.scatter [tilespmem:s2], [sflag:$0x4], $0x80, v6, vm0, $0xb8;
	[tilespmem:$0x18400] =	vst v63  }
0x1ef: {  	s2 =	simm.s32 $0xE400  }
0x1f0: {  	[hbm4b:s6+s3] =	stream.indirect_vreg.scatter [tilespmem:s2], [sflag:$0x4], $0x80, v6, vm1, $0xb8;
	[tilespmem:$0x18400] =	vst v63  }
0x1f1: {  	s2 =	simm.s32 $0xE800  }
0x1f2: {  	[hbm4b:s1+s3] =	stream.indirect_vreg.scatter [tilespmem:s2], [sflag:$0x4], $0x80, v5, vm0, $0xb8;
	[tilespmem:$0x18400] =	vst v63  }
0x1f3: {  	s2 =	simm.s32 $0xF000  }
0x1f4: {  	[hbm4b:s6+s3] =	stream.indirect_vreg.scatter [tilespmem:s2], [sflag:$0x4], $0x80, v5, vm1, $0xb8;
	[tilespmem:$0x18400] =	vst v63  }
0x1f5: {  	v5 =	vld [tilespmem:$0x3A0];
	_ =	sdelay $0x4  }
0x1f6: {  	v6 =	vshrl.u32 v5, $0x3  }
0x1f7: {  	v6 =	vmul.u32 $0x18, v6  }
0x1f8: {  	v5 =	vand.u32 $0x7, v5  }
0x1f9: {  	v5 =	vor.u32 v5, v6  }
0x1fa: {  	v6 =	vperm.xlane v5, v2;
	_ =	sdelay $0x1  }
0x1fb: {  	v6 =	vadd.s32 v3, v6;
	_ =	sdelay $0x1  }
0x1fc: {  	v5 =	vperm.xlane v5, v4;
	_ =	sdelay $0x1  }
0x1fd: {  	s2 =	simm.s32 $0xF400;
	v5 =	vadd.s32 v3, v5  }
0x1fe: {  	[hbm4b:s1+s3] =	stream.indirect_vreg.scatter [tilespmem:s2], [sflag:$0x4], $0x80, v6, vm0, $0xb8;
	[tilespmem:$0x18400] =	vst v63  }
0x1ff: {  	s2 =	simm.s32 $0xFC00  }
0x200: {  	[hbm4b:s6+s3] =	stream.indirect_vreg.scatter [tilespmem:s2], [sflag:$0x4], $0x80, v6, vm1, $0xb8;
	[tilespmem:$0x18400] =	vst v63  }
0x201: {  	s2 =	simm.s32 $0x10000  }
0x202: {  	[hbm4b:s1+s3] =	stream.indirect_vreg.scatter [tilespmem:s2], [sflag:$0x4], $0x80, v5, vm0, $0xb8;
	[tilespmem:$0x18400] =	vst v63  }
0x203: {  	s2 =	simm.s32 $0x10800  }
0x204: {  	[hbm4b:s6+s3] =	stream.indirect_vreg.scatter [tilespmem:s2], [sflag:$0x4], $0x80, v5, vm1, $0xb8;
	[tilespmem:$0x18400] =	vst v63  }
0x205: {  	v5 =	vld [tilespmem:$0x3B0];
	_ =	sdelay $0x4  }
0x206: {  	v6 =	vshrl.u32 v5, $0x3  }
0x207: {  	v6 =	vmul.u32 $0x18, v6  }
0x208: {  	v5 =	vand.u32 $0x7, v5  }
0x209: {  	v5 =	vor.u32 v5, v6  }
0x20a: {  	v6 =	vperm.xlane v5, v2;
	_ =	sdelay $0x1  }
0x20b: {  	v6 =	vadd.s32 v3, v6;
	_ =	sdelay $0x1  }
0x20c: {  	v5 =	vperm.xlane v5, v4;
	_ =	sdelay $0x1  }
0x20d: {  	s2 =	simm.s32 $0x10C00;
	v5 =	vadd.s32 v3, v5  }
0x20e: {  	[hbm4b:s1+s3] =	stream.indirect_vreg.scatter [tilespmem:s2], [sflag:$0x4], $0x80, v6, vm0, $0xb8;
	[tilespmem:$0x18400] =	vst v63  }
0x20f: {  	s2 =	simm.s32 $0x11400  }
0x210: {  	[hbm4b:s6+s3] =	stream.indirect_vreg.scatter [tilespmem:s2], [sflag:$0x4], $0x80, v6, vm1, $0xb8;
	[tilespmem:$0x18400] =	vst v63  }
0x211: {  	s2 =	simm.s32 $0x11800  }
0x212: {  	[hbm4b:s1+s3] =	stream.indirect_vreg.scatter [tilespmem:s2], [sflag:$0x4], $0x80, v5, vm0, $0xb8;
	[tilespmem:$0x18400] =	vst v63  }
0x213: {  	s2 =	simm.s32 $0x12000  }
0x214: {  	[hbm4b:s6+s3] =	stream.indirect_vreg.scatter [tilespmem:s2], [sflag:$0x4], $0x80, v5, vm1, $0xb8;
	[tilespmem:$0x18400] =	vst v63  }
0x215: {  	v5 =	vld [tilespmem:$0x3C0];
	_ =	sdelay $0x4  }
0x216: {  	v6 =	vshrl.u32 v5, $0x3  }
0x217: {  	v6 =	vmul.u32 $0x18, v6  }
0x218: {  	v5 =	vand.u32 $0x7, v5  }
0x219: {  	v5 =	vor.u32 v5, v6  }
0x21a: {  	v6 =	vperm.xlane v5, v2;
	_ =	sdelay $0x1  }
0x21b: {  	v6 =	vadd.s32 v3, v6;
	_ =	sdelay $0x1  }
0x21c: {  	v5 =	vperm.xlane v5, v4;
	_ =	sdelay $0x1  }
0x21d: {  	s2 =	simm.s32 $0x12400;
	v5 =	vadd.s32 v3, v5  }
0x21e: {  	[hbm4b:s1+s3] =	stream.indirect_vreg.scatter [tilespmem:s2], [sflag:$0x4], $0x80, v6, vm0, $0xb8;
	[tilespmem:$0x18400] =	vst v63  }
0x21f: {  	s2 =	simm.s32 $0x12C00  }
0x220: {  	[hbm4b:s6+s3] =	stream.indirect_vreg.scatter [tilespmem:s2], [sflag:$0x4], $0x80, v6, vm1, $0xb8;
	[tilespmem:$0x18400] =	vst v63  }
0x221: {  	s2 =	simm.s32 $0x13000  }
0x222: {  	[hbm4b:s1+s3] =	stream.indirect_vreg.scatter [tilespmem:s2], [sflag:$0x4], $0x80, v5, vm0, $0xb8;
	[tilespmem:$0x18400] =	vst v63  }
0x223: {  	s2 =	simm.s32 $0x13800  }
0x224: {  	[hbm4b:s6+s3] =	stream.indirect_vreg.scatter [tilespmem:s2], [sflag:$0x4], $0x80, v5, vm1, $0xb8;
	[tilespmem:$0x18400] =	vst v63  }
0x225: {  	v5 =	vld [tilespmem:$0x3D0];
	_ =	sdelay $0x4  }
0x226: {  	v6 =	vshrl.u32 v5, $0x3  }
0x227: {  	v6 =	vmul.u32 $0x18, v6  }
0x228: {  	v5 =	vand.u32 $0x7, v5  }
0x229: {  	v5 =	vor.u32 v5, v6  }
0x22a: {  	v6 =	vperm.xlane v5, v2;
	_ =	sdelay $0x1  }
0x22b: {  	v6 =	vadd.s32 v3, v6;
	_ =	sdelay $0x1  }
0x22c: {  	v5 =	vperm.xlane v5, v4;
	_ =	sdelay $0x1  }
0x22d: {  	s2 =	simm.s32 $0x13C00;
	v5 =	vadd.s32 v3, v5  }
0x22e: {  	[hbm4b:s1+s3] =	stream.indirect_vreg.scatter [tilespmem:s2], [sflag:$0x4], $0x80, v6, vm0, $0xb8;
	[tilespmem:$0x18400] =	vst v63  }
0x22f: {  	s2 =	simm.s32 $0x14400  }
0x230: {  	[hbm4b:s6+s3] =	stream.indirect_vreg.scatter [tilespmem:s2], [sflag:$0x4], $0x80, v6, vm1, $0xb8;
	[tilespmem:$0x18400] =	vst v63  }
0x231: {  	s2 =	simm.s32 $0x14800  }
0x232: {  	[hbm4b:s1+s3] =	stream.indirect_vreg.scatter [tilespmem:s2], [sflag:$0x4], $0x80, v5, vm0, $0xb8;
	[tilespmem:$0x18400] =	vst v63  }
0x233: {  	s2 =	simm.s32 $0x15000  }
0x234: {  	[hbm4b:s6+s3] =	stream.indirect_vreg.scatter [tilespmem:s2], [sflag:$0x4], $0x80, v5, vm1, $0xb8;
	[tilespmem:$0x18400] =	vst v63  }
0x235: {  	v5 =	vld [tilespmem:$0x3E0];
	_ =	sdelay $0x4  }
0x236: {  	v6 =	vshrl.u32 v5, $0x3  }
0x237: {  	v6 =	vmul.u32 $0x18, v6  }
0x238: {  	v5 =	vand.u32 $0x7, v5  }
0x239: {  	v5 =	vor.u32 v5, v6  }
0x23a: {  	v6 =	vperm.xlane v5, v2;
	_ =	sdelay $0x1  }
0x23b: {  	v6 =	vadd.s32 v3, v6;
	_ =	sdelay $0x1  }
0x23c: {  	v5 =	vperm.xlane v5, v4;
	_ =	sdelay $0x1  }
0x23d: {  	s2 =	simm.s32 $0x15400;
	v5 =	vadd.s32 v3, v5  }
0x23e: {  	[hbm4b:s1+s3] =	stream.indirect_vreg.scatter [tilespmem:s2], [sflag:$0x4], $0x80, v6, vm0, $0xb8;
	[tilespmem:$0x18400] =	vst v63  }
0x23f: {  	s2 =	simm.s32 $0x15C00  }
0x240: {  	[hbm4b:s6+s3] =	stream.indirect_vreg.scatter [tilespmem:s2], [sflag:$0x4], $0x80, v6, vm1, $0xb8;
	[tilespmem:$0x18400] =	vst v63  }
0x241: {  	s2 =	simm.s32 $0x16000  }
0x242: {  	[hbm4b:s1+s3] =	stream.indirect_vreg.scatter [tilespmem:s2], [sflag:$0x4], $0x80, v5, vm0, $0xb8;
	[tilespmem:$0x18400] =	vst v63  }
0x243: {  	s2 =	simm.s32 $0x16800  }
0x244: {  	[hbm4b:s6+s3] =	stream.indirect_vreg.scatter [tilespmem:s2], [sflag:$0x4], $0x80, v5, vm1, $0xb8;
	[tilespmem:$0x18400] =	vst v63  }
0x245: {  	v5 =	vld [tilespmem:$0x3F0];
	_ =	sdelay $0x4  }
0x246: {  	v6 =	vshrl.u32 v5, $0x3  }
0x247: {  	v6 =	vmul.u32 $0x18, v6  }
0x248: {  	v5 =	vand.u32 $0x7, v5  }
0x249: {  	v5 =	vor.u32 v5, v6  }
0x24a: {  	v6 =	vperm.xlane v5, v2;
	_ =	sdelay $0x1  }
0x24b: {  	v6 =	vadd.s32 v3, v6;
	_ =	sdelay $0x1  }
0x24c: {  	v5 =	vperm.xlane v5, v4;
	_ =	sdelay $0x1  }
0x24d: {  	s2 =	simm.s32 $0x16C00;
	v5 =	vadd.s32 v3, v5  }
0x24e: {  	[hbm4b:s1+s3] =	stream.indirect_vreg.scatter [tilespmem:s2], [sflag:$0x4], $0x80, v6, vm0, $0xb8;
	[tilespmem:$0x18400] =	vst v63  }
0x24f: {  	s2 =	simm.s32 $0x17400  }
0x250: {  	[hbm4b:s6+s3] =	stream.indirect_vreg.scatter [tilespmem:s2], [sflag:$0x4], $0x80, v6, vm1, $0xb8;
	[tilespmem:$0x18400] =	vst v63  }
0x251: {  	p0 =	sne.s32 s7, $0x1;
	s2 =	simm.s32 $0x17800  }
0x252: {  	[hbm4b:s1+s3] =	stream.indirect_vreg.scatter [tilespmem:s2], [sflag:$0x4], $0x80, v5, vm0, $0xb8;
	[tilespmem:$0x18400] =	vst v63  }
.Ltmp0:
0x253: {  	s2 =	simm.s32 $0x18000;
	(pc) =	sbr.rel @p0 .LBB2_1-.Ltmp0, $4  }
0x254: {  	[hbm4b:s6+s3] =	stream.indirect_vreg.scatter [tilespmem:s2], [sflag:$0x4], $0x80, v5, vm1, $0xb8;
	[tilespmem:$0x18400] =	vst v63  }
0x255: {  	_ =	swait.ge [sflag:s5], $0xC000  }
0x256: {  	[sflag:s5] =	ssyncset.done $0x0  }
0x257: {  	s7 =	sadd.s32 $0xFFFFFFFF, s7;
	[sflag:s5] =	ssyncadd.s32 $0xFFFF4000  }
0x258: {  	_ =	sfence.sel $0x180000  }
0x259: {  	[bflag:$0x0] =	sbarrier.arrive $0xFFFF  }
0x25a: {  	_ =	strace $0x90000047  }
0x25b: {  	s0 =	stileid.u32;
	[bflag:$0x2] =	sbarrier.arrive $0xFFFF  }
0x25c: {  	p0 =	sne.s32 s0, $0x0;
	s0 =	rddreg [dreg:$0x3]  }
0x25d: {  	s0 =	sadd.s32 @!p0 $0x100000, s0  }
0x25e: {  	[sflag:s0] =	ssyncadd.tile.s32 @!p0 $0x1;
	_ =	shalt  }
.Lfunc_end2:
_tile_overlayer_lowered:
.L_overlay_start_2:
0x25f: {  	(tag) =	ssettag $0x2  }
0x260: {  	s0 =	rddreg [dreg:$0x0];
	s2 =	stileid.u32  }
0x261: {  	s1 =	rddreg [dreg:$0x1];
	p0 =	sne.s32 s2, $0x0  }
0x262: {  	s3 =	rddreg [dreg:$0x2];
	[bflag:$0x3] =	sbarrier.arrive $0xFFFF;
	s2 =	simm.s32 @!p0 $0x1C05  }
0x263: {  	[timem:s3], [sflag:s2] =	dma.local @!p0 [hbm:s0], s1  }
0x264: {  	s0 =	simm.s32 @!p0 $0x5  }
0x265: {  	_ =	swait.ge @!p0 [sflag:s0], s1  }
0x266: {  	s1 =	ssub.s32 @!p0 $0x0, s1;
	[sflag:s0] =	ssyncset.done @!p0 $0x0  }
0x267: {  	[sflag:s0] =	ssyncadd.s32 @!p0 s1  }
0x268: {  	[bflag:$0x3] =	sbarrier.arrive $0xFFFF  }
0x269: {  	_ =	shalt  }

</sc_bundles>
